<compile_context>
chip_gen: v7x
topology: tpu7x:2x2x1
jax: 0.10.2.dev20260603
libtpu: 0.0.44.dev20260713+nightly
codegen_flags: <defaults>
</compile_context>

<pallas_src>
import functools

import jax
import jax.numpy as jnp
from jax import lax
from jax.experimental import pallas as pl
from jax.experimental.pallas import tpu as pltpu
from jax.experimental.pallas import tpu_sc as plsc

H = 12
D = 64
S = 2048
COMP = 8
NUM_RETR = 2
H_NR = H - NUM_RETR
K_KEEP = int(S * 0.3)
N_DROP = S - K_KEEP
RECENT = 128
BR = 128
NBR = S // BR
TB = 256
NTB = S // TB
N_KEPT_ROWS = K_KEEP * H_NR
N_RETR_ROWS = S * NUM_RETR
N_ROWS = 10240
ROWS_PER_TILE = N_ROWS // 32
IDX_MINOR = 80



def _attn_stats_body(a_ref, stats_ref, colsum_ref):
    r = pl.program_id(1)
    a = a_ref[0]
    rows = lax.broadcasted_iota(jnp.int32, (BR, S), 0) + r * BR
    cols = lax.broadcasted_iota(jnp.int32, (BR, S), 1)
    dist = jnp.abs(rows - cols).astype(jnp.float32)
    w = jnp.sum(a * dist)
    s = jnp.sum(a)
    lane = lax.broadcasted_iota(jnp.int32, (1, 1, 128), 2)
    contrib = jnp.where(lane == 0, w, 0.0) + jnp.where(lane == 1, s, 0.0)

    @pl.when(r == 0)
    def _():
        stats_ref[...] = contrib

    @pl.when(r > 0)
    def _():
        stats_ref[...] = stats_ref[...] + contrib

    @pl.when(r == NBR - 1)
    def _():
        acc8 = a[0:8]
        for c in range(1, BR // 8):
            acc8 = acc8 + a[c * 8:(c + 1) * 8]
        b4 = acc8[0:4] + acc8[4:8]
        b2 = b4[0:2] + b4[2:4]
        colsum_ref[...] = jnp.reshape(b2[0:1] + b2[1:2], (1, 1, S))


def _attn_stats(a3):
    return pl.pallas_call(
        _attn_stats_body,
        grid=(H, NBR),
        in_specs=[pl.BlockSpec((1, BR, S), lambda h, r: (h, r, 0))],
        out_specs=[
            pl.BlockSpec((1, 1, 128), lambda h, r: (h, 0, 0)),
            pl.BlockSpec((1, 1, S), lambda h, r: (h, 0, 0)),
        ],
        out_shape=[
            jax.ShapeDtypeStruct((H, 1, 128), jnp.float32),
            jax.ShapeDtypeStruct((H, 1, S), jnp.float32),
        ],
        compiler_params=pltpu.CompilerParams(
            dimension_semantics=("parallel", "arbitrary")),
    )(a3)



_EXACT = lax.Precision.HIGHEST


def _headscore_body(stats_ref, cs_ref, inv_ref, gh_ref, sn_ref):
    stats = stats_ref[:, 0, :]
    wsum = stats[:, 0:1]
    asum = stats[:, 1:2]
    avg = wsum / (asum + 1e-10)
    hi = lax.broadcasted_iota(jnp.int32, (H, H), 0)
    gi = lax.broadcasted_iota(jnp.int32, (H, H), 1)
    eye = (hi == gi).astype(jnp.float32)
    avg_row = lax.dot_general(avg, eye, (((0,), (0,)), ((), ())),
                              precision=_EXACT)
    beats = (avg_row > avg) | ((avg_row == avg) & (gi < hi))
    hr = jnp.sum(beats.astype(jnp.float32), axis=1, keepdims=True)
    hr_row = lax.dot_general(hr, eye, (((0,), (0,)), ((), ())),
                             precision=_EXACT)
    inv_oh = (jnp.broadcast_to(hr_row, (H, H))
              == lax.broadcasted_iota(jnp.int32, (H, H), 0).astype(jnp.float32)
              ).astype(jnp.float32)
    hcol = lax.broadcasted_iota(jnp.int32, (H, 1), 0).astype(jnp.float32)
    inv = lax.dot_general(inv_oh, hcol, (((1,), (0,)), ((), ())),
                          precision=_EXACT)
    inv_ref[...] = jnp.broadcast_to(inv, (H, 128))
    ji = lax.broadcasted_iota(jnp.int32, (H, 128), 1)
    sigma = jnp.where(ji < H_NR, ji + NUM_RETR,
                      jnp.where(ji < H, ji - H_NR, 99)).astype(jnp.float32)
    sel = (jnp.broadcast_to(hr, (H, 128)) == sigma).astype(jnp.float32)
    gh_ref[...] = lax.dot_general(hcol, sel, (((0,), (0,)), ((), ())),
                                  precision=_EXACT)
    mi = lax.broadcasted_iota(jnp.int32, (H_NR, H), 0)
    perm = (jnp.broadcast_to(hr_row, (H_NR, H))
            == (mi + NUM_RETR).astype(jnp.float32)).astype(jnp.float32)
    t = lax.dot_general(perm, cs_ref[:, 0, :], (((1,), (0,)), ((), ())),
                        precision=_EXACT)
    pad = jnp.concatenate([t[8:10], jnp.zeros((8 - (H_NR - 8), S),
                                              jnp.float32)], axis=0)
    acc8 = t[0:8] + pad
    b4 = acc8[0:4] + acc8[4:8]
    b2 = b4[0:2] + b4[2:4]
    s1 = b2[0:1] + b2[1:2]
    smax = jnp.max(s1)
    sn_ref[...] = jnp.where(smax > 0.0, s1 / smax, s1)


def _headscore(stats, colsum):
    return pl.pallas_call(
        _headscore_body,
        grid=(1,),
        in_specs=[
            pl.BlockSpec((H, 1, 128), lambda i: (0, 0, 0)),
            pl.BlockSpec((H, 1, S), lambda i: (0, 0, 0)),
        ],
        out_specs=[
            pl.BlockSpec((H, 128), lambda i: (0, 0)),
            pl.BlockSpec((1, 128), lambda i: (0, 0)),
            pl.BlockSpec((1, S), lambda i: (0, 0)),
        ],
        out_shape=[
            jax.ShapeDtypeStruct((H, 128), jnp.float32),
            jax.ShapeDtypeStruct((1, 128), jnp.float32),
            jax.ShapeDtypeStruct((1, S), jnp.float32),
        ],
    )(stats, colsum)


def _rank_body(scol_ref, srow_ref, kc_ref, vc_ref,
               ranks_ref, sumk_ref, sumv_ref):
    r = pl.program_id(0)
    s_col = scol_ref[...]
    s_jb = srow_ref[...]
    ii = lax.broadcasted_iota(jnp.int32, (S, TB), 0)
    jj = lax.broadcasted_iota(jnp.int32, (S, TB), 1) + r * TB
    cmpc = (s_col > s_jb) | ((s_col == s_jb) & (ii < jj))
    rankrow = jnp.sum(cmpc.astype(jnp.float32), axis=0, keepdims=True)
    ranks_ref[...] = jnp.reshape(rankrow, (1, 1, TB))
    dropm = (rankrow >= float(K_KEEP)).astype(jnp.float32)
    kc = kc_ref[...]
    vc = vc_ref[...]
    sumk = lax.dot_general(dropm, kc, (((1,), (0,)), ((), ())),
                           precision=_EXACT)
    sumv = lax.dot_general(dropm, vc, (((1,), (0,)), ((), ())),
                           precision=_EXACT)
    sumk_ref[...] = jnp.reshape(sumk, (1, 1, H * D))
    sumv_ref[...] = jnp.reshape(sumv, (1, 1, H * D))


def _rank(scol, snrow, kcf, vcf):
    return pl.pallas_call(
        _rank_body,
        grid=(NTB,),
        in_specs=[
            pl.BlockSpec((S, 1), lambda r: (0, 0)),
            pl.BlockSpec((1, TB), lambda r: (0, r)),
            pl.BlockSpec((TB, H * D), lambda r: (r, 0)),
            pl.BlockSpec((TB, H * D), lambda r: (r, 0)),
        ],
        out_specs=[
            pl.BlockSpec((1, 1, TB), lambda r: (r, 0, 0)),
            pl.BlockSpec((1, 1, H * D), lambda r: (r, 0, 0)),
            pl.BlockSpec((1, 1, H * D), lambda r: (r, 0, 0)),
        ],
        out_shape=[
            jax.ShapeDtypeStruct((NTB, 1, TB), jnp.float32),
            jax.ShapeDtypeStruct((NTB, 1, H * D), jnp.float32),
            jax.ShapeDtypeStruct((NTB, 1, H * D), jnp.float32),
        ],
    )(scol, snrow, kcf, vcf)



def _glist_body(rr_ref, gh_ref, g_ref):
    b = pl.program_id(0)
    rrow = rr_ref[...]
    ri = (lax.broadcasted_iota(jnp.int32, (BR, S), 0)
          + b * BR).astype(jnp.float32)
    oh = (jnp.broadcast_to(rrow, (BR, S)) == ri).astype(jnp.float32)
    tid = lax.broadcasted_iota(jnp.int32, (BR, S), 1).astype(jnp.float32)
    kt = jnp.sum(oh * tid, axis=1, keepdims=True)
    gh = gh_ref[...]
    mj = lax.broadcasted_iota(jnp.int32, (BR, 128), 1)
    rowf = (lax.broadcasted_iota(jnp.int32, (BR, 128), 0)
            + b * BR).astype(jnp.float32)
    basef = jnp.where(mj < H_NR, jnp.broadcast_to(kt, (BR, 128)), rowf)
    g = basef * float(H) + jnp.broadcast_to(gh, (BR, 128))
    g_ref[...] = g.astype(jnp.int32)


def _glist(rr, gh):
    return pl.pallas_call(
        _glist_body,
        grid=(NBR,),
        in_specs=[pl.BlockSpec((1, S), lambda b: (0, 0)),
                  pl.BlockSpec((1, 128), lambda b: (0, 0))],
        out_specs=pl.BlockSpec((BR, 128), lambda b: (b, 0)),
        out_shape=jax.ShapeDtypeStruct((S, 128), jnp.int32),
    )(rr, gh)



def _sc_gather_body(g_hbm, kv_hbm, kvout_hbm, idx_v, rows_kv, sem):
    cid = lax.axis_index("c")
    sid = lax.axis_index("s")
    wid = sid * 2 + cid
    pltpu.sync_copy(g_hbm.at[pl.ds(wid * 4, 4)], idx_v)
    for b in range(4):
        for t in range(IDX_MINOR // 16):
            v = idx_v[b, pl.ds(t * 16, 16)]
            idx_v[b, pl.ds(t * 16, 16)] = jnp.clip(v, 0, S * H - 1)
    copies = []
    for b in range(4):
        copies.append(pltpu.async_copy(
            kv_hbm.at[idx_v.at[b]],
            rows_kv.at[pl.ds(b * IDX_MINOR, IDX_MINOR)], sem))
    for cp in copies:
        cp.wait()
    pltpu.sync_copy(rows_kv, kvout_hbm.at[pl.ds(wid * ROWS_PER_TILE,
                                                ROWS_PER_TILE)])


def _sc_gather(g, kvflat):
    mesh = plsc.VectorSubcoreMesh(core_axis_name="c", subcore_axis_name="s")
    fn = functools.partial(
        pl.kernel,
        mesh=mesh,
        compiler_params=pltpu.CompilerParams(needs_layout_passes=False),
        out_type=[
            jax.ShapeDtypeStruct((N_ROWS, 2 * D), jnp.float32),
        ],
        scratch_types=[
            pltpu.VMEM((4, IDX_MINOR), jnp.int32),
            pltpu.VMEM((ROWS_PER_TILE, 2 * D), jnp.float32),
            pltpu.SemaphoreType.DMA,
        ],
    )(_sc_gather_body)
    return fn(g, kvflat)



def kernel(key_cache, value_cache, attn, comp_key_emb, comp_value_emb):
    del comp_key_emb, comp_value_emb
    a3 = attn[:, 0]
    stats, colsum = _attn_stats(a3)
    kcf = key_cache.reshape(S, H * D)
    vcf = value_cache.reshape(S, H * D)
    inv_o, gh, sn = _headscore(stats, colsum)
    scol = sn.reshape(S, 1)
    ranks_o, sumk_o, sumv_o = _rank(scol, sn, kcf, vcf)
    inv12 = inv_o[:, 0].astype(jnp.int32)
    ranks_row = ranks_o.reshape(1, S)
    g2d = _glist(ranks_row, gh)
    g_kept = g2d[:K_KEEP, :H_NR].reshape(-1)
    g_retr = g2d[:, H_NR:H].reshape(-1)
    g = jnp.concatenate([g_kept, g_retr,
                         jnp.zeros((4,), jnp.int32)]).reshape(
        N_ROWS // IDX_MINOR, IDX_MINOR)
    kvflat = jnp.concatenate([key_cache, value_cache],
                             axis=-1).reshape(S * H, 2 * D)
    (kvrows,) = _sc_gather(g, kvflat)
    krows = kvrows[:, :D]
    vrows = kvrows[:, D:]
    keys_kept = krows[:N_KEPT_ROWS].reshape(1, K_KEEP, H_NR, D)
    vals_kept = vrows[:N_KEPT_ROWS].reshape(1, K_KEEP, H_NR, D)
    retr_k = krows[N_KEPT_ROWS:N_KEPT_ROWS + N_RETR_ROWS].reshape(
        1, S, NUM_RETR, D)
    retr_v = vrows[N_KEPT_ROWS:N_KEPT_ROWS + N_RETR_ROWS].reshape(
        1, S, NUM_RETR, D)
    sumk = sumk_o.sum(axis=0).reshape(H, D)
    sumv = sumv_o.sum(axis=0).reshape(H, D)
    perm = (inv12[NUM_RETR:][:, None] == jnp.arange(H)[None, :]
            ).astype(jnp.float32)
    ck_nr = (perm @ sumk) * (1.0 / N_DROP)
    cv_nr = (perm @ sumv) * (1.0 / N_DROP)
    ck = jnp.broadcast_to(ck_nr[None, None], (1, COMP, H_NR, D))
    cv = jnp.broadcast_to(cv_nr[None, None], (1, COMP, H_NR, D))
    keys_out = jnp.concatenate([keys_kept, ck], axis=1)
    values_out = jnp.concatenate([vals_kept, cv], axis=1)
    return keys_out, values_out, retr_k, retr_v

# --- scband reference (transcript-rebuilt; emitter-appended) ---
"""Pipeline reference for scband-razor-attention-compressor-75376676045086 (READ-ONLY COPY).

The authoritative reference and input builder live on the scoring server;
editing this copy changes nothing except your own understanding.
"""

import jax, jax.numpy as jnp
import numpy as np

NUM_HEADS = 12
HEAD_DIM = 64
B = 1
S = 2048
COMP = 8
RETR_RATIO = 0.2
KEEP_RATIO = 0.3


def setup_inputs(seed: int = 0) -> dict:
    key = jax.random.key(seed)
    k1, k2, k3, k4, k5 = jax.random.split(key, 5)
    key_cache = jax.random.normal(k1, (B, S, NUM_HEADS, HEAD_DIM), dtype=jnp.float32)
    value_cache = jax.random.normal(k2, (B, S, NUM_HEADS, HEAD_DIM), dtype=jnp.float32)
    attn = jax.random.uniform(k3, (NUM_HEADS, B, S, S), dtype=jnp.float32)
    comp_key_emb = jax.random.normal(k4, (1, COMP, NUM_HEADS, HEAD_DIM), dtype=jnp.float32) / np.sqrt(HEAD_DIM)
    comp_value_emb = jax.random.normal(k5, (1, COMP, NUM_HEADS, HEAD_DIM), dtype=jnp.float32) / np.sqrt(HEAD_DIM)
    return {"key_cache": key_cache, "value_cache": value_cache, "attn": attn,
            "comp_key_emb": comp_key_emb, "comp_value_emb": comp_value_emb}


def reference(key_cache, value_cache, attn, comp_key_emb, comp_value_emb):
    H, Bn, Sn, _ = attn.shape
    D = key_cache.shape[-1]
    num_retr = max(1, int(H * RETR_RATIO))
    # --- identify retrieval heads: attention-weighted mean distance per head ---
    q_idx = jnp.arange(Sn)[:, None]
    k_idx = jnp.arange(Sn)[None, :]
    dist = jnp.abs(q_idx - k_idx).astype(jnp.float32)  # [S, S]
    weighted = attn * dist[None, None, :, :]           # [H, B, S, S]
    avg_dist = weighted.sum(axis=(1, 2, 3)) / (attn.sum(axis=(1, 2, 3)) + 1e-10)  # [H]
    order = jnp.argsort(-avg_dist)
    retr_idx = order[:num_retr]
    nr_idx = order[num_retr:]
    # --- token scores over non-retrieval heads (recent-window attention mass) ---
    recent_window = min(128, Sn)
    recent_start = Sn - recent_window
    token_imp = attn[:, :, recent_start:Sn, :Sn].sum(axis=2)  # [H, B, S]
    nr_imp = jnp.take(token_imp, nr_idx, axis=0)              # [H_nr, B, S]
    scores = nr_imp.sum(axis=0)                               # [B, S]
    smax = scores.max()
    scores = jnp.where(smax > 0, scores / smax, scores)
    k_keep = int(Sn * KEEP_RATIO)
    # --- top-k token selection ---
    _, keep_idx = jax.lax.top_k(scores, k_keep)               # [B, k_keep]
    sort_idx = jnp.argsort(-scores, axis=1)
    drop_idx = sort_idx[:, k_keep:]                           # [B, S - k_keep]
    # --- compressed KV for non-retrieval heads ---
    kc_nr = jnp.take(key_cache, nr_idx, axis=2)               # [B, S, H_nr, D]
    vc_nr = jnp.take(value_cache, nr_idx, axis=2)
    Hnr = kc_nr.shape[2]
    ki = jnp.broadcast_to(keep_idx[:, :, None, None], (Bn, k_keep, Hnr, D))
    keys_kept = jnp.take_along_axis(kc_nr, ki, axis=1)        # [B, k_keep, H_nr, D]
    vals_kept = jnp.take_along_axis(vc_nr, ki, axis=1)
    # --- compensation embeddings from dropped tokens (gathered over all heads) ---
    n_drop = drop_idx.shape[1]
    di = jnp.broadcast_to(drop_idx[:, :, None, None], (Bn, n_drop, H, D))
    dropped_k = jnp.take_along_axis(key_cache, di, axis=1)    # [B, n_drop, H, D]
    dropped_v = jnp.take_along_axis(value_cache, di, axis=1)
    ck = jnp.broadcast_to(dropped_k.mean(axis=1, keepdims=True), (Bn, COMP, H, D))
    cv = jnp.broadcast_to(dropped_v.mean(axis=1, keepdims=True), (Bn, COMP, H, D))
    ck_nr = jnp.take(ck, nr_idx, axis=2)
    cv_nr = jnp.take(cv, nr_idx, axis=2)
    keys_out = jnp.concatenate([keys_kept, ck_nr], axis=1)    # [B, k_keep+COMP, H_nr, D]
    values_out = jnp.concatenate([vals_kept, cv_nr], axis=1)
    # --- retrieval heads keep full cache ---
    retr_k = jnp.take(key_cache, retr_idx, axis=2)            # [B, S, num_retr, D]
    retr_v = jnp.take(value_cache, retr_idx, axis=2)
    return keys_out, values_out, retr_k, retr_v

if __name__ == "__main__":
    import jax
    _d = setup_inputs()
    print(jax.jit(kernel)(*tuple(_d.values())))

</pallas_src>

<mosaic_0001>
#map = affine_map<(d0, d1) -> (0, 0)>
module attributes {stable_mosaic.version = 14 : i64} {
  func.func @_sc_gather_body(%arg0: i32, %arg1: i32, %arg2: memref<128x80xi32, #tpu.memory_space<hbm>>, %arg3: memref<24576x128xf32, #tpu.memory_space<hbm>>, %arg4: memref<10240x128xf32, #tpu.memory_space<hbm>>, %arg5: memref<4x80xi32, #tpu.memory_space<vmem>>, %arg6: memref<320x128xf32, #tpu.memory_space<vmem>>, %arg7: memref<!tpu.dma_semaphore, #tpu.memory_space<semaphore_mem>>) attributes {dimension_semantics = [#tpu.dimension_semantics<core_parallel>, #tpu.dimension_semantics<subcore_parallel>], iteration_bounds = array<i64: 2, 16>, scalar_prefetch = 0 : i64, scratch_operands = 3 : i64, tpu.core_type = #tpu.core_type<sc_vector_subcore>, window_params = [{transform_indices = #map}, {transform_indices = #map}, {transform_indices = #map}]} {
    %mul3A = arith.constant 2 : i32
    %mul3A_0 = arith.muli %arg1, %mul3A : i32
    %add3A = arith.addi %mul3A_0, %arg0 : i32
    %mul3A_1 = arith.constant 4 : i32
    %mul3A_2 = arith.muli %add3A, %mul3A_1 : i32
    "tpu.region"() ({
      %run_scoped3A = tpu.sem_alloc : memref<!tpu.dma_semaphore, #tpu.memory_space<semaphore_mem>>
      %dma_start3A_358 = arith.constant 0 : i32
      %dma_start3A_359 = tpu.memref_slice %arg2[%mul3A_2, %dma_start3A_358] : memref<128x80xi32, #tpu.memory_space<hbm>> -> memref<4x80xi32, #tpu.memory_space<hbm>>
      %dma_start3A_360 = arith.constant 0 : i32
      %dma_start3A_361 = tpu.memref_slice %arg2[%mul3A_2, %dma_start3A_360] : memref<128x80xi32, #tpu.memory_space<hbm>> -> memref<4x80xi32, #tpu.memory_space<hbm>>
      tpu.enqueue_dma source(%dma_start3A_361 : memref<4x80xi32, #tpu.memory_space<hbm>>) target(%arg5 : memref<4x80xi32, #tpu.memory_space<vmem>>) target_semaphore(%run_scoped3A : memref<!tpu.dma_semaphore, #tpu.memory_space<semaphore_mem>>)
      %dma_wait3A_362 = arith.constant 0 : i32
      %dma_wait3A_363 = tpu.memref_slice %arg2[%mul3A_2, %dma_wait3A_362] : memref<128x80xi32, #tpu.memory_space<hbm>> -> memref<4x80xi32, #tpu.memory_space<hbm>>
      %dma_wait3A_364 = arith.constant 0 : i32
      %dma_wait3A_365 = tpu.memref_slice %arg2[%mul3A_2, %dma_wait3A_364] : memref<128x80xi32, #tpu.memory_space<hbm>> -> memref<4x80xi32, #tpu.memory_space<hbm>>
      tpu.wait_dma2 semaphore(%run_scoped3A : memref<!tpu.dma_semaphore, #tpu.memory_space<semaphore_mem>>) src(%dma_wait3A_365 : memref<4x80xi32, #tpu.memory_space<hbm>>) dst(%arg5 : memref<4x80xi32, #tpu.memory_space<vmem>>)
      tpu.yield
    }) : () -> ()
    %get3A = arith.constant 0 : i32
    %get3A_3 = arith.index_cast %get3A : i32 to index
    %get3A_4 = arith.constant 0 : index
    %get3A_5 = tpu.vector_load %arg5[%get3A_3, %get3A_4] {strides = array<i32>} : memref<4x80xi32, #tpu.memory_space<vmem>>, vector<16xi32>,
    %jit3A = arith.constant 0 : i32
    %jit3A_6 = arith.constant 24575 : i32
    %max3A = vector.broadcast %jit3A : i32 to vector<16xi32>
    %max3A_7 = arith.maxsi %max3A, %get3A_5 : vector<16xi32>
    %min3A = vector.broadcast %jit3A_6 : i32 to vector<16xi32>
    %min3A_8 = arith.minsi %min3A, %max3A_7 : vector<16xi32>
    %swap3A = arith.constant 0 : i32
    %swap3A_9 = arith.index_cast %swap3A : i32 to index
    %swap3A_10 = arith.constant 0 : index
    %swap3A_11 = tpu.vector_load %arg5[%swap3A_9, %swap3A_10] {strides = array<i32>} : memref<4x80xi32, #tpu.memory_space<vmem>>, vector<16xi32>,
    tpu.vector_store %arg5[%swap3A_9, %swap3A_10], %min3A_8 {strides = array<i32>} : memref<4x80xi32, #tpu.memory_space<vmem>>, vector<16xi32>,
    %get3A_12 = arith.constant 0 : i32
    %get3A_13 = arith.index_cast %get3A_12 : i32 to index
    %get3A_14 = arith.constant 16 : index
    %get3A_15 = tpu.vector_load %arg5[%get3A_13, %get3A_14] {strides = array<i32>} : memref<4x80xi32, #tpu.memory_space<vmem>>, vector<16xi32>,
    %jit3A_16 = arith.constant 0 : i32
    %jit3A_17 = arith.constant 24575 : i32
    %max3A_18 = vector.broadcast %jit3A_16 : i32 to vector<16xi32>
    %max3A_19 = arith.maxsi %max3A_18, %get3A_15 : vector<16xi32>
    %min3A_20 = vector.broadcast %jit3A_17 : i32 to vector<16xi32>
    %min3A_21 = arith.minsi %min3A_20, %max3A_19 : vector<16xi32>
    %swap3A_22 = arith.constant 0 : i32
    %swap3A_23 = arith.index_cast %swap3A_22 : i32 to index
    %swap3A_24 = arith.constant 16 : index
    %swap3A_25 = tpu.vector_load %arg5[%swap3A_23, %swap3A_24] {strides = array<i32>} : memref<4x80xi32, #tpu.memory_space<vmem>>, vector<16xi32>,
    tpu.vector_store %arg5[%swap3A_23, %swap3A_24], %min3A_21 {strides = array<i32>} : memref<4x80xi32, #tpu.memory_space<vmem>>, vector<16xi32>,
    %get3A_26 = arith.constant 0 : i32
    %get3A_27 = arith.index_cast %get3A_26 : i32 to index
    %get3A_28 = arith.constant 32 : index
    %get3A_29 = tpu.vector_load %arg5[%get3A_27, %get3A_28] {strides = array<i32>} : memref<4x80xi32, #tpu.memory_space<vmem>>, vector<16xi32>,
    %jit3A_30 = arith.constant 0 : i32
    %jit3A_31 = arith.constant 24575 : i32
    %max3A_32 = vector.broadcast %jit3A_30 : i32 to vector<16xi32>
    %max3A_33 = arith.maxsi %max3A_32, %get3A_29 : vector<16xi32>
    %min3A_34 = vector.broadcast %jit3A_31 : i32 to vector<16xi32>
    %min3A_35 = arith.minsi %min3A_34, %max3A_33 : vector<16xi32>
    %swap3A_36 = arith.constant 0 : i32
    %swap3A_37 = arith.index_cast %swap3A_36 : i32 to index
    %swap3A_38 = arith.constant 32 : index
    %swap3A_39 = tpu.vector_load %arg5[%swap3A_37, %swap3A_38] {strides = array<i32>} : memref<4x80xi32, #tpu.memory_space<vmem>>, vector<16xi32>,
    tpu.vector_store %arg5[%swap3A_37, %swap3A_38], %min3A_35 {strides = array<i32>} : memref<4x80xi32, #tpu.memory_space<vmem>>, vector<16xi32>,
    %get3A_40 = arith.constant 0 : i32
    %get3A_41 = arith.index_cast %get3A_40 : i32 to index
    %get3A_42 = arith.constant 48 : index
    %get3A_43 = tpu.vector_load %arg5[%get3A_41, %get3A_42] {strides = array<i32>} : memref<4x80xi32, #tpu.memory_space<vmem>>, vector<16xi32>,
    %jit3A_44 = arith.constant 0 : i32
    %jit3A_45 = arith.constant 24575 : i32
    %max3A_46 = vector.broadcast %jit3A_44 : i32 to vector<16xi32>
    %max3A_47 = arith.maxsi %max3A_46, %get3A_43 : vector<16xi32>
    %min3A_48 = vector.broadcast %jit3A_45 : i32 to vector<16xi32>
    %min3A_49 = arith.minsi %min3A_48, %max3A_47 : vector<16xi32>
    %swap3A_50 = arith.constant 0 : i32
    %swap3A_51 = arith.index_cast %swap3A_50 : i32 to index
    %swap3A_52 = arith.constant 48 : index
    %swap3A_53 = tpu.vector_load %arg5[%swap3A_51, %swap3A_52] {strides = array<i32>} : memref<4x80xi32, #tpu.memory_space<vmem>>, vector<16xi32>,
    tpu.vector_store %arg5[%swap3A_51, %swap3A_52], %min3A_49 {strides = array<i32>} : memref<4x80xi32, #tpu.memory_space<vmem>>, vector<16xi32>,
    %get3A_54 = arith.constant 0 : i32
    %get3A_55 = arith.index_cast %get3A_54 : i32 to index
    %get3A_56 = arith.constant 64 : index
    %get3A_57 = tpu.vector_load %arg5[%get3A_55, %get3A_56] {strides = array<i32>} : memref<4x80xi32, #tpu.memory_space<vmem>>, vector<16xi32>,
    %jit3A_58 = arith.constant 0 : i32
    %jit3A_59 = arith.constant 24575 : i32
    %max3A_60 = vector.broadcast %jit3A_58 : i32 to vector<16xi32>
    %max3A_61 = arith.maxsi %max3A_60, %get3A_57 : vector<16xi32>
    %min3A_62 = vector.broadcast %jit3A_59 : i32 to vector<16xi32>
    %min3A_63 = arith.minsi %min3A_62, %max3A_61 : vector<16xi32>
    %swap3A_64 = arith.constant 0 : i32
    %swap3A_65 = arith.index_cast %swap3A_64 : i32 to index
    %swap3A_66 = arith.constant 64 : index
    %swap3A_67 = tpu.vector_load %arg5[%swap3A_65, %swap3A_66] {strides = array<i32>} : memref<4x80xi32, #tpu.memory_space<vmem>>, vector<16xi32>,
    tpu.vector_store %arg5[%swap3A_65, %swap3A_66], %min3A_63 {strides = array<i32>} : memref<4x80xi32, #tpu.memory_space<vmem>>, vector<16xi32>,
    %get3A_68 = arith.constant 1 : i32
    %get3A_69 = arith.index_cast %get3A_68 : i32 to index
    %get3A_70 = arith.constant 0 : index
    %get3A_71 = tpu.vector_load %arg5[%get3A_69, %get3A_70] {strides = array<i32>} : memref<4x80xi32, #tpu.memory_space<vmem>>, vector<16xi32>,
    %jit3A_72 = arith.constant 0 : i32
    %jit3A_73 = arith.constant 24575 : i32
    %max3A_74 = vector.broadcast %jit3A_72 : i32 to vector<16xi32>
    %max3A_75 = arith.maxsi %max3A_74, %get3A_71 : vector<16xi32>
    %min3A_76 = vector.broadcast %jit3A_73 : i32 to vector<16xi32>
    %min3A_77 = arith.minsi %min3A_76, %max3A_75 : vector<16xi32>
    %swap3A_78 = arith.constant 1 : i32
    %swap3A_79 = arith.index_cast %swap3A_78 : i32 to index
    %swap3A_80 = arith.constant 0 : index
    %swap3A_81 = tpu.vector_load %arg5[%swap3A_79, %swap3A_80] {strides = array<i32>} : memref<4x80xi32, #tpu.memory_space<vmem>>, vector<16xi32>,
    tpu.vector_store %arg5[%swap3A_79, %swap3A_80], %min3A_77 {strides = array<i32>} : memref<4x80xi32, #tpu.memory_space<vmem>>, vector<16xi32>,
    %get3A_82 = arith.constant 1 : i32
    %get3A_83 = arith.index_cast %get3A_82 : i32 to index
    %get3A_84 = arith.constant 16 : index
    %get3A_85 = tpu.vector_load %arg5[%get3A_83, %get3A_84] {strides = array<i32>} : memref<4x80xi32, #tpu.memory_space<vmem>>, vector<16xi32>,
    %jit3A_86 = arith.constant 0 : i32
    %jit3A_87 = arith.constant 24575 : i32
    %max3A_88 = vector.broadcast %jit3A_86 : i32 to vector<16xi32>
    %max3A_89 = arith.maxsi %max3A_88, %get3A_85 : vector<16xi32>
    %min3A_90 = vector.broadcast %jit3A_87 : i32 to vector<16xi32>
    %min3A_91 = arith.minsi %min3A_90, %max3A_89 : vector<16xi32>
    %swap3A_92 = arith.constant 1 : i32
    %swap3A_93 = arith.index_cast %swap3A_92 : i32 to index
    %swap3A_94 = arith.constant 16 : index
    %swap3A_95 = tpu.vector_load %arg5[%swap3A_93, %swap3A_94] {strides = array<i32>} : memref<4x80xi32, #tpu.memory_space<vmem>>, vector<16xi32>,
    tpu.vector_store %arg5[%swap3A_93, %swap3A_94], %min3A_91 {strides = array<i32>} : memref<4x80xi32, #tpu.memory_space<vmem>>, vector<16xi32>,
    %get3A_96 = arith.constant 1 : i32
    %get3A_97 = arith.index_cast %get3A_96 : i32 to index
    %get3A_98 = arith.constant 32 : index
    %get3A_99 = tpu.vector_load %arg5[%get3A_97, %get3A_98] {strides = array<i32>} : memref<4x80xi32, #tpu.memory_space<vmem>>, vector<16xi32>,
    %jit3A_100 = arith.constant 0 : i32
    %jit3A_101 = arith.constant 24575 : i32
    %max3A_102 = vector.broadcast %jit3A_100 : i32 to vector<16xi32>
    %max3A_103 = arith.maxsi %max3A_102, %get3A_99 : vector<16xi32>
    %min3A_104 = vector.broadcast %jit3A_101 : i32 to vector<16xi32>
    %min3A_105 = arith.minsi %min3A_104, %max3A_103 : vector<16xi32>
    %swap3A_106 = arith.constant 1 : i32
    %swap3A_107 = arith.index_cast %swap3A_106 : i32 to index
    %swap3A_108 = arith.constant 32 : index
    %swap3A_109 = tpu.vector_load %arg5[%swap3A_107, %swap3A_108] {strides = array<i32>} : memref<4x80xi32, #tpu.memory_space<vmem>>, vector<16xi32>,
    tpu.vector_store %arg5[%swap3A_107, %swap3A_108], %min3A_105 {strides = array<i32>} : memref<4x80xi32, #tpu.memory_space<vmem>>, vector<16xi32>,
    %get3A_110 = arith.constant 1 : i32
    %get3A_111 = arith.index_cast %get3A_110 : i32 to index
    %get3A_112 = arith.constant 48 : index
    %get3A_113 = tpu.vector_load %arg5[%get3A_111, %get3A_112] {strides = array<i32>} : memref<4x80xi32, #tpu.memory_space<vmem>>, vector<16xi32>,
    %jit3A_114 = arith.constant 0 : i32
    %jit3A_115 = arith.constant 24575 : i32
    %max3A_116 = vector.broadcast %jit3A_114 : i32 to vector<16xi32>
    %max3A_117 = arith.maxsi %max3A_116, %get3A_113 : vector<16xi32>
    %min3A_118 = vector.broadcast %jit3A_115 : i32 to vector<16xi32>
    %min3A_119 = arith.minsi %min3A_118, %max3A_117 : vector<16xi32>
    %swap3A_120 = arith.constant 1 : i32
    %swap3A_121 = arith.index_cast %swap3A_120 : i32 to index
    %swap3A_122 = arith.constant 48 : index
    %swap3A_123 = tpu.vector_load %arg5[%swap3A_121, %swap3A_122] {strides = array<i32>} : memref<4x80xi32, #tpu.memory_space<vmem>>, vector<16xi32>,
    tpu.vector_store %arg5[%swap3A_121, %swap3A_122], %min3A_119 {strides = array<i32>} : memref<4x80xi32, #tpu.memory_space<vmem>>, vector<16xi32>,
    %get3A_124 = arith.constant 1 : i32
    %get3A_125 = arith.index_cast %get3A_124 : i32 to index
    %get3A_126 = arith.constant 64 : index
    %get3A_127 = tpu.vector_load %arg5[%get3A_125, %get3A_126] {strides = array<i32>} : memref<4x80xi32, #tpu.memory_space<vmem>>, vector<16xi32>,
    %jit3A_128 = arith.constant 0 : i32
    %jit3A_129 = arith.constant 24575 : i32
    %max3A_130 = vector.broadcast %jit3A_128 : i32 to vector<16xi32>
    %max3A_131 = arith.maxsi %max3A_130, %get3A_127 : vector<16xi32>
    %min3A_132 = vector.broadcast %jit3A_129 : i32 to vector<16xi32>
    %min3A_133 = arith.minsi %min3A_132, %max3A_131 : vector<16xi32>
    %swap3A_134 = arith.constant 1 : i32
    %swap3A_135 = arith.index_cast %swap3A_134 : i32 to index
    %swap3A_136 = arith.constant 64 : index
    %swap3A_137 = tpu.vector_load %arg5[%swap3A_135, %swap3A_136] {strides = array<i32>} : memref<4x80xi32, #tpu.memory_space<vmem>>, vector<16xi32>,
    tpu.vector_store %arg5[%swap3A_135, %swap3A_136], %min3A_133 {strides = array<i32>} : memref<4x80xi32, #tpu.memory_space<vmem>>, vector<16xi32>,
    %get3A_138 = arith.constant 2 : i32
    %get3A_139 = arith.index_cast %get3A_138 : i32 to index
    %get3A_140 = arith.constant 0 : index
    %get3A_141 = tpu.vector_load %arg5[%get3A_139, %get3A_140] {strides = array<i32>} : memref<4x80xi32, #tpu.memory_space<vmem>>, vector<16xi32>,
    %jit3A_142 = arith.constant 0 : i32
    %jit3A_143 = arith.constant 24575 : i32
    %max3A_144 = vector.broadcast %jit3A_142 : i32 to vector<16xi32>
    %max3A_145 = arith.maxsi %max3A_144, %get3A_141 : vector<16xi32>
    %min3A_146 = vector.broadcast %jit3A_143 : i32 to vector<16xi32>
    %min3A_147 = arith.minsi %min3A_146, %max3A_145 : vector<16xi32>
    %swap3A_148 = arith.constant 2 : i32
    %swap3A_149 = arith.index_cast %swap3A_148 : i32 to index
    %swap3A_150 = arith.constant 0 : index
    %swap3A_151 = tpu.vector_load %arg5[%swap3A_149, %swap3A_150] {strides = array<i32>} : memref<4x80xi32, #tpu.memory_space<vmem>>, vector<16xi32>,
    tpu.vector_store %arg5[%swap3A_149, %swap3A_150], %min3A_147 {strides = array<i32>} : memref<4x80xi32, #tpu.memory_space<vmem>>, vector<16xi32>,
    %get3A_152 = arith.constant 2 : i32
    %get3A_153 = arith.index_cast %get3A_152 : i32 to index
    %get3A_154 = arith.constant 16 : index
    %get3A_155 = tpu.vector_load %arg5[%get3A_153, %get3A_154] {strides = array<i32>} : memref<4x80xi32, #tpu.memory_space<vmem>>, vector<16xi32>,
    %jit3A_156 = arith.constant 0 : i32
    %jit3A_157 = arith.constant 24575 : i32
    %max3A_158 = vector.broadcast %jit3A_156 : i32 to vector<16xi32>
    %max3A_159 = arith.maxsi %max3A_158, %get3A_155 : vector<16xi32>
    %min3A_160 = vector.broadcast %jit3A_157 : i32 to vector<16xi32>
    %min3A_161 = arith.minsi %min3A_160, %max3A_159 : vector<16xi32>
    %swap3A_162 = arith.constant 2 : i32
    %swap3A_163 = arith.index_cast %swap3A_162 : i32 to index
    %swap3A_164 = arith.constant 16 : index
    %swap3A_165 = tpu.vector_load %arg5[%swap3A_163, %swap3A_164] {strides = array<i32>} : memref<4x80xi32, #tpu.memory_space<vmem>>, vector<16xi32>,
    tpu.vector_store %arg5[%swap3A_163, %swap3A_164], %min3A_161 {strides = array<i32>} : memref<4x80xi32, #tpu.memory_space<vmem>>, vector<16xi32>,
    %get3A_166 = arith.constant 2 : i32
    %get3A_167 = arith.index_cast %get3A_166 : i32 to index
    %get3A_168 = arith.constant 32 : index
    %get3A_169 = tpu.vector_load %arg5[%get3A_167, %get3A_168] {strides = array<i32>} : memref<4x80xi32, #tpu.memory_space<vmem>>, vector<16xi32>,
    %jit3A_170 = arith.constant 0 : i32
    %jit3A_171 = arith.constant 24575 : i32
    %max3A_172 = vector.broadcast %jit3A_170 : i32 to vector<16xi32>
    %max3A_173 = arith.maxsi %max3A_172, %get3A_169 : vector<16xi32>
    %min3A_174 = vector.broadcast %jit3A_171 : i32 to vector<16xi32>
    %min3A_175 = arith.minsi %min3A_174, %max3A_173 : vector<16xi32>
    %swap3A_176 = arith.constant 2 : i32
    %swap3A_177 = arith.index_cast %swap3A_176 : i32 to index
    %swap3A_178 = arith.constant 32 : index
    %swap3A_179 = tpu.vector_load %arg5[%swap3A_177, %swap3A_178] {strides = array<i32>} : memref<4x80xi32, #tpu.memory_space<vmem>>, vector<16xi32>,
    tpu.vector_store %arg5[%swap3A_177, %swap3A_178], %min3A_175 {strides = array<i32>} : memref<4x80xi32, #tpu.memory_space<vmem>>, vector<16xi32>,
    %get3A_180 = arith.constant 2 : i32
    %get3A_181 = arith.index_cast %get3A_180 : i32 to index
    %get3A_182 = arith.constant 48 : index
    %get3A_183 = tpu.vector_load %arg5[%get3A_181, %get3A_182] {strides = array<i32>} : memref<4x80xi32, #tpu.memory_space<vmem>>, vector<16xi32>,
    %jit3A_184 = arith.constant 0 : i32
    %jit3A_185 = arith.constant 24575 : i32
    %max3A_186 = vector.broadcast %jit3A_184 : i32 to vector<16xi32>
    %max3A_187 = arith.maxsi %max3A_186, %get3A_183 : vector<16xi32>
    %min3A_188 = vector.broadcast %jit3A_185 : i32 to vector<16xi32>
    %min3A_189 = arith.minsi %min3A_188, %max3A_187 : vector<16xi32>
    %swap3A_190 = arith.constant 2 : i32
    %swap3A_191 = arith.index_cast %swap3A_190 : i32 to index
    %swap3A_192 = arith.constant 48 : index
    %swap3A_193 = tpu.vector_load %arg5[%swap3A_191, %swap3A_192] {strides = array<i32>} : memref<4x80xi32, #tpu.memory_space<vmem>>, vector<16xi32>,
    tpu.vector_store %arg5[%swap3A_191, %swap3A_192], %min3A_189 {strides = array<i32>} : memref<4x80xi32, #tpu.memory_space<vmem>>, vector<16xi32>,
    %get3A_194 = arith.constant 2 : i32
    %get3A_195 = arith.index_cast %get3A_194 : i32 to index
    %get3A_196 = arith.constant 64 : index
    %get3A_197 = tpu.vector_load %arg5[%get3A_195, %get3A_196] {strides = array<i32>} : memref<4x80xi32, #tpu.memory_space<vmem>>, vector<16xi32>,
    %jit3A_198 = arith.constant 0 : i32
    %jit3A_199 = arith.constant 24575 : i32
    %max3A_200 = vector.broadcast %jit3A_198 : i32 to vector<16xi32>
    %max3A_201 = arith.maxsi %max3A_200, %get3A_197 : vector<16xi32>
    %min3A_202 = vector.broadcast %jit3A_199 : i32 to vector<16xi32>
    %min3A_203 = arith.minsi %min3A_202, %max3A_201 : vector<16xi32>
    %swap3A_204 = arith.constant 2 : i32
    %swap3A_205 = arith.index_cast %swap3A_204 : i32 to index
    %swap3A_206 = arith.constant 64 : index
    %swap3A_207 = tpu.vector_load %arg5[%swap3A_205, %swap3A_206] {strides = array<i32>} : memref<4x80xi32, #tpu.memory_space<vmem>>, vector<16xi32>,
    tpu.vector_store %arg5[%swap3A_205, %swap3A_206], %min3A_203 {strides = array<i32>} : memref<4x80xi32, #tpu.memory_space<vmem>>, vector<16xi32>,
    %get3A_208 = arith.constant 3 : i32
    %get3A_209 = arith.index_cast %get3A_208 : i32 to index
    %get3A_210 = arith.constant 0 : index
    %get3A_211 = tpu.vector_load %arg5[%get3A_209, %get3A_210] {strides = array<i32>} : memref<4x80xi32, #tpu.memory_space<vmem>>, vector<16xi32>,
    %jit3A_212 = arith.constant 0 : i32
    %jit3A_213 = arith.constant 24575 : i32
    %max3A_214 = vector.broadcast %jit3A_212 : i32 to vector<16xi32>
    %max3A_215 = arith.maxsi %max3A_214, %get3A_211 : vector<16xi32>
    %min3A_216 = vector.broadcast %jit3A_213 : i32 to vector<16xi32>
    %min3A_217 = arith.minsi %min3A_216, %max3A_215 : vector<16xi32>
    %swap3A_218 = arith.constant 3 : i32
    %swap3A_219 = arith.index_cast %swap3A_218 : i32 to index
    %swap3A_220 = arith.constant 0 : index
    %swap3A_221 = tpu.vector_load %arg5[%swap3A_219, %swap3A_220] {strides = array<i32>} : memref<4x80xi32, #tpu.memory_space<vmem>>, vector<16xi32>,
    tpu.vector_store %arg5[%swap3A_219, %swap3A_220], %min3A_217 {strides = array<i32>} : memref<4x80xi32, #tpu.memory_space<vmem>>, vector<16xi32>,
    %get3A_222 = arith.constant 3 : i32
    %get3A_223 = arith.index_cast %get3A_222 : i32 to index
    %get3A_224 = arith.constant 16 : index
    %get3A_225 = tpu.vector_load %arg5[%get3A_223, %get3A_224] {strides = array<i32>} : memref<4x80xi32, #tpu.memory_space<vmem>>, vector<16xi32>,
    %jit3A_226 = arith.constant 0 : i32
    %jit3A_227 = arith.constant 24575 : i32
    %max3A_228 = vector.broadcast %jit3A_226 : i32 to vector<16xi32>
    %max3A_229 = arith.maxsi %max3A_228, %get3A_225 : vector<16xi32>
    %min3A_230 = vector.broadcast %jit3A_227 : i32 to vector<16xi32>
    %min3A_231 = arith.minsi %min3A_230, %max3A_229 : vector<16xi32>
    %swap3A_232 = arith.constant 3 : i32
    %swap3A_233 = arith.index_cast %swap3A_232 : i32 to index
    %swap3A_234 = arith.constant 16 : index
    %swap3A_235 = tpu.vector_load %arg5[%swap3A_233, %swap3A_234] {strides = array<i32>} : memref<4x80xi32, #tpu.memory_space<vmem>>, vector<16xi32>,
    tpu.vector_store %arg5[%swap3A_233, %swap3A_234], %min3A_231 {strides = array<i32>} : memref<4x80xi32, #tpu.memory_space<vmem>>, vector<16xi32>,
    %get3A_236 = arith.constant 3 : i32
    %get3A_237 = arith.index_cast %get3A_236 : i32 to index
    %get3A_238 = arith.constant 32 : index
    %get3A_239 = tpu.vector_load %arg5[%get3A_237, %get3A_238] {strides = array<i32>} : memref<4x80xi32, #tpu.memory_space<vmem>>, vector<16xi32>,
    %jit3A_240 = arith.constant 0 : i32
    %jit3A_241 = arith.constant 24575 : i32
    %max3A_242 = vector.broadcast %jit3A_240 : i32 to vector<16xi32>
    %max3A_243 = arith.maxsi %max3A_242, %get3A_239 : vector<16xi32>
    %min3A_244 = vector.broadcast %jit3A_241 : i32 to vector<16xi32>
    %min3A_245 = arith.minsi %min3A_244, %max3A_243 : vector<16xi32>
    %swap3A_246 = arith.constant 3 : i32
    %swap3A_247 = arith.index_cast %swap3A_246 : i32 to index
    %swap3A_248 = arith.constant 32 : index
    %swap3A_249 = tpu.vector_load %arg5[%swap3A_247, %swap3A_248] {strides = array<i32>} : memref<4x80xi32, #tpu.memory_space<vmem>>, vector<16xi32>,
    tpu.vector_store %arg5[%swap3A_247, %swap3A_248], %min3A_245 {strides = array<i32>} : memref<4x80xi32, #tpu.memory_space<vmem>>, vector<16xi32>,
    %get3A_250 = arith.constant 3 : i32
    %get3A_251 = arith.index_cast %get3A_250 : i32 to index
    %get3A_252 = arith.constant 48 : index
    %get3A_253 = tpu.vector_load %arg5[%get3A_251, %get3A_252] {strides = array<i32>} : memref<4x80xi32, #tpu.memory_space<vmem>>, vector<16xi32>,
    %jit3A_254 = arith.constant 0 : i32
    %jit3A_255 = arith.constant 24575 : i32
    %max3A_256 = vector.broadcast %jit3A_254 : i32 to vector<16xi32>
    %max3A_257 = arith.maxsi %max3A_256, %get3A_253 : vector<16xi32>
    %min3A_258 = vector.broadcast %jit3A_255 : i32 to vector<16xi32>
    %min3A_259 = arith.minsi %min3A_258, %max3A_257 : vector<16xi32>
    %swap3A_260 = arith.constant 3 : i32
    %swap3A_261 = arith.index_cast %swap3A_260 : i32 to index
    %swap3A_262 = arith.constant 48 : index
    %swap3A_263 = tpu.vector_load %arg5[%swap3A_261, %swap3A_262] {strides = array<i32>} : memref<4x80xi32, #tpu.memory_space<vmem>>, vector<16xi32>,
    tpu.vector_store %arg5[%swap3A_261, %swap3A_262], %min3A_259 {strides = array<i32>} : memref<4x80xi32, #tpu.memory_space<vmem>>, vector<16xi32>,
    %get3A_264 = arith.constant 3 : i32
    %get3A_265 = arith.index_cast %get3A_264 : i32 to index
    %get3A_266 = arith.constant 64 : index
    %get3A_267 = tpu.vector_load %arg5[%get3A_265, %get3A_266] {strides = array<i32>} : memref<4x80xi32, #tpu.memory_space<vmem>>, vector<16xi32>,
    %jit3A_268 = arith.constant 0 : i32
    %jit3A_269 = arith.constant 24575 : i32
    %max3A_270 = vector.broadcast %jit3A_268 : i32 to vector<16xi32>
    %max3A_271 = arith.maxsi %max3A_270, %get3A_267 : vector<16xi32>
    %min3A_272 = vector.broadcast %jit3A_269 : i32 to vector<16xi32>
    %min3A_273 = arith.minsi %min3A_272, %max3A_271 : vector<16xi32>
    %swap3A_274 = arith.constant 3 : i32
    %swap3A_275 = arith.index_cast %swap3A_274 : i32 to index
    %swap3A_276 = arith.constant 64 : index
    %swap3A_277 = tpu.vector_load %arg5[%swap3A_275, %swap3A_276] {strides = array<i32>} : memref<4x80xi32, #tpu.memory_space<vmem>>, vector<16xi32>,
    tpu.vector_store %arg5[%swap3A_275, %swap3A_276], %min3A_273 {strides = array<i32>} : memref<4x80xi32, #tpu.memory_space<vmem>>, vector<16xi32>,
    %dma_start3A = arith.constant 0 : i32
    %dma_start3A_278 = arith.constant 0 : i32
    %dma_start3A_279 = arith.constant 0 : i32
    %dma_start3A_280 = tpu.memref_slice %arg6[%dma_start3A_278, %dma_start3A_279] : memref<320x128xf32, #tpu.memory_space<vmem>> -> memref<80x128xf32, #tpu.memory_space<vmem>>
    %dma_start3A_281 = arith.constant 0 : i32
    %dma_start3A_282 = tpu.memref_slice %arg5[%dma_start3A, %dma_start3A_281] : memref<4x80xi32, #tpu.memory_space<vmem>> -> memref<1x80xi32, #tpu.memory_space<vmem>>
    %dma_start3A_283 = tpu.memref_squeeze %dma_start3A_282 : memref<1x80xi32, #tpu.memory_space<vmem>> -> memref<80xi32, #tpu.memory_space<vmem>>
    %dma_start3A_284 = arith.constant 0 : i32
    %dma_start3A_285 = arith.constant 0 : i32
    %dma_start3A_286 = tpu.memref_slice %arg3[%dma_start3A_284, %dma_start3A_285] : memref<24576x128xf32, #tpu.memory_space<hbm>> -> memref<24576x128xf32, #tpu.memory_space<hbm>>
    tpu.enqueue_indirect_dma source(%dma_start3A_286 : memref<24576x128xf32, #tpu.memory_space<hbm>>) target(%dma_start3A_280 : memref<80x128xf32, #tpu.memory_space<vmem>>) offsets(%dma_start3A_283 : memref<80xi32, #tpu.memory_space<vmem>>) semaphore(%arg7 : memref<!tpu.dma_semaphore, #tpu.memory_space<semaphore_mem>>)
    %dma_start3A_287 = arith.constant 1 : i32
    %dma_start3A_288 = arith.constant 80 : i32
    %dma_start3A_289 = arith.constant 0 : i32
    %dma_start3A_290 = tpu.memref_slice %arg6[%dma_start3A_288, %dma_start3A_289] : memref<320x128xf32, #tpu.memory_space<vmem>> -> memref<80x128xf32, #tpu.memory_space<vmem>>
    %dma_start3A_291 = arith.constant 0 : i32
    %dma_start3A_292 = tpu.memref_slice %arg5[%dma_start3A_287, %dma_start3A_291] : memref<4x80xi32, #tpu.memory_space<vmem>> -> memref<1x80xi32, #tpu.memory_space<vmem>>
    %dma_start3A_293 = tpu.memref_squeeze %dma_start3A_292 : memref<1x80xi32, #tpu.memory_space<vmem>> -> memref<80xi32, #tpu.memory_space<vmem>>
    %dma_start3A_294 = arith.constant 0 : i32
    %dma_start3A_295 = arith.constant 0 : i32
    %dma_start3A_296 = tpu.memref_slice %arg3[%dma_start3A_294, %dma_start3A_295] : memref<24576x128xf32, #tpu.memory_space<hbm>> -> memref<24576x128xf32, #tpu.memory_space<hbm>>
    tpu.enqueue_indirect_dma source(%dma_start3A_296 : memref<24576x128xf32, #tpu.memory_space<hbm>>) target(%dma_start3A_290 : memref<80x128xf32, #tpu.memory_space<vmem>>) offsets(%dma_start3A_293 : memref<80xi32, #tpu.memory_space<vmem>>) semaphore(%arg7 : memref<!tpu.dma_semaphore, #tpu.memory_space<semaphore_mem>>)
    %dma_start3A_297 = arith.constant 2 : i32
    %dma_start3A_298 = arith.constant 160 : i32
    %dma_start3A_299 = arith.constant 0 : i32
    %dma_start3A_300 = tpu.memref_slice %arg6[%dma_start3A_298, %dma_start3A_299] : memref<320x128xf32, #tpu.memory_space<vmem>> -> memref<80x128xf32, #tpu.memory_space<vmem>>
    %dma_start3A_301 = arith.constant 0 : i32
    %dma_start3A_302 = tpu.memref_slice %arg5[%dma_start3A_297, %dma_start3A_301] : memref<4x80xi32, #tpu.memory_space<vmem>> -> memref<1x80xi32, #tpu.memory_space<vmem>>
    %dma_start3A_303 = tpu.memref_squeeze %dma_start3A_302 : memref<1x80xi32, #tpu.memory_space<vmem>> -> memref<80xi32, #tpu.memory_space<vmem>>
    %dma_start3A_304 = arith.constant 0 : i32
    %dma_start3A_305 = arith.constant 0 : i32
    %dma_start3A_306 = tpu.memref_slice %arg3[%dma_start3A_304, %dma_start3A_305] : memref<24576x128xf32, #tpu.memory_space<hbm>> -> memref<24576x128xf32, #tpu.memory_space<hbm>>
    tpu.enqueue_indirect_dma source(%dma_start3A_306 : memref<24576x128xf32, #tpu.memory_space<hbm>>) target(%dma_start3A_300 : memref<80x128xf32, #tpu.memory_space<vmem>>) offsets(%dma_start3A_303 : memref<80xi32, #tpu.memory_space<vmem>>) semaphore(%arg7 : memref<!tpu.dma_semaphore, #tpu.memory_space<semaphore_mem>>)
    %dma_start3A_307 = arith.constant 3 : i32
    %dma_start3A_308 = arith.constant 240 : i32
    %dma_start3A_309 = arith.constant 0 : i32
    %dma_start3A_310 = tpu.memref_slice %arg6[%dma_start3A_308, %dma_start3A_309] : memref<320x128xf32, #tpu.memory_space<vmem>> -> memref<80x128xf32, #tpu.memory_space<vmem>>
    %dma_start3A_311 = arith.constant 0 : i32
    %dma_start3A_312 = tpu.memref_slice %arg5[%dma_start3A_307, %dma_start3A_311] : memref<4x80xi32, #tpu.memory_space<vmem>> -> memref<1x80xi32, #tpu.memory_space<vmem>>
    %dma_start3A_313 = tpu.memref_squeeze %dma_start3A_312 : memref<1x80xi32, #tpu.memory_space<vmem>> -> memref<80xi32, #tpu.memory_space<vmem>>
    %dma_start3A_314 = arith.constant 0 : i32
    %dma_start3A_315 = arith.constant 0 : i32
    %dma_start3A_316 = tpu.memref_slice %arg3[%dma_start3A_314, %dma_start3A_315] : memref<24576x128xf32, #tpu.memory_space<hbm>> -> memref<24576x128xf32, #tpu.memory_space<hbm>>
    tpu.enqueue_indirect_dma source(%dma_start3A_316 : memref<24576x128xf32, #tpu.memory_space<hbm>>) target(%dma_start3A_310 : memref<80x128xf32, #tpu.memory_space<vmem>>) offsets(%dma_start3A_313 : memref<80xi32, #tpu.memory_space<vmem>>) semaphore(%arg7 : memref<!tpu.dma_semaphore, #tpu.memory_space<semaphore_mem>>)
    %dma_wait3A = arith.constant 0 : i32
    %dma_wait3A_317 = arith.constant 0 : i32
    %dma_wait3A_318 = arith.constant 0 : i32
    %dma_wait3A_319 = tpu.memref_slice %arg6[%dma_wait3A_317, %dma_wait3A_318] : memref<320x128xf32, #tpu.memory_space<vmem>> -> memref<80x128xf32, #tpu.memory_space<vmem>>
    %dma_wait3A_320 = arith.constant 0 : i32
    %dma_wait3A_321 = tpu.memref_slice %arg5[%dma_wait3A, %dma_wait3A_320] : memref<4x80xi32, #tpu.memory_space<vmem>> -> memref<1x80xi32, #tpu.memory_space<vmem>>
    %dma_wait3A_322 = tpu.memref_squeeze %dma_wait3A_321 : memref<1x80xi32, #tpu.memory_space<vmem>> -> memref<80xi32, #tpu.memory_space<vmem>>
    %dma_wait3A_323 = arith.constant 0 : i32
    %dma_wait3A_324 = arith.constant 0 : i32
    %dma_wait3A_325 = tpu.memref_slice %arg3[%dma_wait3A_323, %dma_wait3A_324] : memref<24576x128xf32, #tpu.memory_space<hbm>> -> memref<24576x128xf32, #tpu.memory_space<hbm>>
    tpu.wait_indirect_dma semaphore(%arg7 : memref<!tpu.dma_semaphore, #tpu.memory_space<semaphore_mem>>) src(%dma_wait3A_325 : memref<24576x128xf32, #tpu.memory_space<hbm>>) dst(%dma_wait3A_319 : memref<80x128xf32, #tpu.memory_space<vmem>>)
    %dma_wait3A_326 = arith.constant 1 : i32
    %dma_wait3A_327 = arith.constant 80 : i32
    %dma_wait3A_328 = arith.constant 0 : i32
    %dma_wait3A_329 = tpu.memref_slice %arg6[%dma_wait3A_327, %dma_wait3A_328] : memref<320x128xf32, #tpu.memory_space<vmem>> -> memref<80x128xf32, #tpu.memory_space<vmem>>
    %dma_wait3A_330 = arith.constant 0 : i32
    %dma_wait3A_331 = tpu.memref_slice %arg5[%dma_wait3A_326, %dma_wait3A_330] : memref<4x80xi32, #tpu.memory_space<vmem>> -> memref<1x80xi32, #tpu.memory_space<vmem>>
    %dma_wait3A_332 = tpu.memref_squeeze %dma_wait3A_331 : memref<1x80xi32, #tpu.memory_space<vmem>> -> memref<80xi32, #tpu.memory_space<vmem>>
    %dma_wait3A_333 = arith.constant 0 : i32
    %dma_wait3A_334 = arith.constant 0 : i32
    %dma_wait3A_335 = tpu.memref_slice %arg3[%dma_wait3A_333, %dma_wait3A_334] : memref<24576x128xf32, #tpu.memory_space<hbm>> -> memref<24576x128xf32, #tpu.memory_space<hbm>>
    tpu.wait_indirect_dma semaphore(%arg7 : memref<!tpu.dma_semaphore, #tpu.memory_space<semaphore_mem>>) src(%dma_wait3A_335 : memref<24576x128xf32, #tpu.memory_space<hbm>>) dst(%dma_wait3A_329 : memref<80x128xf32, #tpu.memory_space<vmem>>)
    %dma_wait3A_336 = arith.constant 2 : i32
    %dma_wait3A_337 = arith.constant 160 : i32
    %dma_wait3A_338 = arith.constant 0 : i32
    %dma_wait3A_339 = tpu.memref_slice %arg6[%dma_wait3A_337, %dma_wait3A_338] : memref<320x128xf32, #tpu.memory_space<vmem>> -> memref<80x128xf32, #tpu.memory_space<vmem>>
    %dma_wait3A_340 = arith.constant 0 : i32
    %dma_wait3A_341 = tpu.memref_slice %arg5[%dma_wait3A_336, %dma_wait3A_340] : memref<4x80xi32, #tpu.memory_space<vmem>> -> memref<1x80xi32, #tpu.memory_space<vmem>>
    %dma_wait3A_342 = tpu.memref_squeeze %dma_wait3A_341 : memref<1x80xi32, #tpu.memory_space<vmem>> -> memref<80xi32, #tpu.memory_space<vmem>>
    %dma_wait3A_343 = arith.constant 0 : i32
    %dma_wait3A_344 = arith.constant 0 : i32
    %dma_wait3A_345 = tpu.memref_slice %arg3[%dma_wait3A_343, %dma_wait3A_344] : memref<24576x128xf32, #tpu.memory_space<hbm>> -> memref<24576x128xf32, #tpu.memory_space<hbm>>
    tpu.wait_indirect_dma semaphore(%arg7 : memref<!tpu.dma_semaphore, #tpu.memory_space<semaphore_mem>>) src(%dma_wait3A_345 : memref<24576x128xf32, #tpu.memory_space<hbm>>) dst(%dma_wait3A_339 : memref<80x128xf32, #tpu.memory_space<vmem>>)
    %dma_wait3A_346 = arith.constant 3 : i32
    %dma_wait3A_347 = arith.constant 240 : i32
    %dma_wait3A_348 = arith.constant 0 : i32
    %dma_wait3A_349 = tpu.memref_slice %arg6[%dma_wait3A_347, %dma_wait3A_348] : memref<320x128xf32, #tpu.memory_space<vmem>> -> memref<80x128xf32, #tpu.memory_space<vmem>>
    %dma_wait3A_350 = arith.constant 0 : i32
    %dma_wait3A_351 = tpu.memref_slice %arg5[%dma_wait3A_346, %dma_wait3A_350] : memref<4x80xi32, #tpu.memory_space<vmem>> -> memref<1x80xi32, #tpu.memory_space<vmem>>
    %dma_wait3A_352 = tpu.memref_squeeze %dma_wait3A_351 : memref<1x80xi32, #tpu.memory_space<vmem>> -> memref<80xi32, #tpu.memory_space<vmem>>
    %dma_wait3A_353 = arith.constant 0 : i32
    %dma_wait3A_354 = arith.constant 0 : i32
    %dma_wait3A_355 = tpu.memref_slice %arg3[%dma_wait3A_353, %dma_wait3A_354] : memref<24576x128xf32, #tpu.memory_space<hbm>> -> memref<24576x128xf32, #tpu.memory_space<hbm>>
    tpu.wait_indirect_dma semaphore(%arg7 : memref<!tpu.dma_semaphore, #tpu.memory_space<semaphore_mem>>) src(%dma_wait3A_355 : memref<24576x128xf32, #tpu.memory_space<hbm>>) dst(%dma_wait3A_349 : memref<80x128xf32, #tpu.memory_space<vmem>>)
    %mul3A_356 = arith.constant 320 : i32
    %mul3A_357 = arith.muli %add3A, %mul3A_356 : i32
    "tpu.region"() ({
      %run_scoped3A = tpu.sem_alloc : memref<!tpu.dma_semaphore, #tpu.memory_space<semaphore_mem>>
      %dma_start3A_358 = arith.constant 0 : i32
      %dma_start3A_359 = tpu.memref_slice %arg4[%mul3A_357, %dma_start3A_358] : memref<10240x128xf32, #tpu.memory_space<hbm>> -> memref<320x128xf32, #tpu.memory_space<hbm>>
      %dma_start3A_360 = arith.constant 0 : i32
      %dma_start3A_361 = tpu.memref_slice %arg4[%mul3A_357, %dma_start3A_360] : memref<10240x128xf32, #tpu.memory_space<hbm>> -> memref<320x128xf32, #tpu.memory_space<hbm>>
      tpu.enqueue_dma source(%arg6 : memref<320x128xf32, #tpu.memory_space<vmem>>) target(%dma_start3A_361 : memref<320x128xf32, #tpu.memory_space<hbm>>) target_semaphore(%run_scoped3A : memref<!tpu.dma_semaphore, #tpu.memory_space<semaphore_mem>>)
      %dma_wait3A_362 = arith.constant 0 : i32
      %dma_wait3A_363 = tpu.memref_slice %arg4[%mul3A_357, %dma_wait3A_362] : memref<10240x128xf32, #tpu.memory_space<hbm>> -> memref<320x128xf32, #tpu.memory_space<hbm>>
      %dma_wait3A_364 = arith.constant 0 : i32
      %dma_wait3A_365 = tpu.memref_slice %arg4[%mul3A_357, %dma_wait3A_364] : memref<10240x128xf32, #tpu.memory_space<hbm>> -> memref<320x128xf32, #tpu.memory_space<hbm>>
      tpu.wait_dma2 semaphore(%run_scoped3A : memref<!tpu.dma_semaphore, #tpu.memory_space<semaphore_mem>>) src(%arg6 : memref<320x128xf32, #tpu.memory_space<vmem>>) dst(%dma_wait3A_365 : memref<320x128xf32, #tpu.memory_space<hbm>>)
      tpu.yield
    }) : () -> ()
    return
  }
}

module attributes {stable_mosaic.version = 14 : i64} {
  func.func @_headscore_body(%arg0: i32, %arg1: memref<12x1x128xf32, #tpu.memory_space<vmem>>, %arg2: memref<12x1x2048xf32, #tpu.memory_space<vmem>>, %arg3: memref<12x128xf32, #tpu.memory_space<vmem>>, %arg4: memref<1x128xf32, #tpu.memory_space<vmem>>, %arg5: memref<1x2048xf32, #tpu.memory_space<vmem>>) attributes {dimension_semantics = [#tpu.dimension_semantics<arbitrary>], iteration_bounds = array<i64: 1>, scalar_prefetch = 0 : i64, scratch_operands = 0 : i64, tpu.core_type = #tpu.core_type<tc>, window_params = [{pipeline_mode = #tpu.pipeline_mode<synchronous>, transform_indices = @transform_0, window_bounds = array<i64: 12, 1, 128>}, {pipeline_mode = #tpu.pipeline_mode<synchronous>, transform_indices = @transform_1, window_bounds = array<i64: 12, 1, 2048>}, {pipeline_mode = #tpu.pipeline_mode<synchronous>, transform_indices = @transform_2, window_bounds = array<i64: 12, 128>}, {pipeline_mode = #tpu.pipeline_mode<synchronous>, transform_indices = @transform_3, window_bounds = array<i64: 1, 128>}, {pipeline_mode = #tpu.pipeline_mode<synchronous>, transform_indices = @transform_4, window_bounds = array<i64: 1, 2048>}]} {
    %get3A = arith.constant 0 : index
    %get3A_0 = arith.constant 0 : index
    %get3A_1 = arith.constant 0 : index
    %get3A_2 = vector.load %arg1[%get3A, %get3A_0, %get3A_1] : memref<12x1x128xf32, #tpu.memory_space<vmem>>, vector<12x1x128xf32>
    %get3A_3 = vector.shape_cast %get3A_2 : vector<12x1x128xf32> to vector<12x128xf32>
    %slice3A = vector.extract_strided_slice %get3A_3 {offsets = [0, 0], sizes = [12, 1], strides = [1, 1]} : vector<12x128xf32> to vector<12x1xf32>
    %slice3A_4 = vector.extract_strided_slice %get3A_3 {offsets = [0, 1], sizes = [12, 1], strides = [1, 1]} : vector<12x128xf32> to vector<12x1xf32>
    %add3A = arith.constant 1.000000e-10 : f32
    %add3A_5 = vector.broadcast %add3A : f32 to vector<12x1xf32>
    %add3A_6 = arith.addf %slice3A_4, %add3A_5 : vector<12x1xf32>
    %div3A = arith.divf %slice3A, %add3A_6 : vector<12x1xf32>
    %iota3A = tpu.iota {dimensions = array<i32: 0>} : vector<12x12xi32>
    %iota3A_7 = tpu.iota {dimensions = array<i32: 1>} : vector<12x12xi32>
    %eq3A = arith.cmpi eq, %iota3A, %iota3A_7 : vector<12x12xi32>
    %convert_element_type3A = arith.extui %eq3A : vector<12x12xi1> to vector<12x12xi32>
    %convert_element_type3A_8 = arith.sitofp %convert_element_type3A : vector<12x12xi32> to vector<12x12xf32>
    %dot_general3A = arith.constant dense<0.000000e+00> : vector<1x12xf32>
    %dot_general3A_9 = tpu.matmul %div3A, %convert_element_type3A_8, %dot_general3A {dimension_numbers = #tpu.dot_dimension_numbers<[0], [0], [1], [1], [0, 1, 1, 1], [], []>, precision = #tpu.contract_precision<fp32>, transpose_lhs_hint = false} : vector<12x1xf32>, vector<12x12xf32>, vector<1x12xf32> -> vector<1x12xf32>
    %gt3A = vector.broadcast %dot_general3A_9 : vector<1x12xf32> to vector<12x12xf32>
    %gt3A_10 = vector.broadcast %div3A : vector<12x1xf32> to vector<12x12xf32>
    %gt3A_11 = arith.cmpf ogt, %gt3A, %gt3A_10 : vector<12x12xf32>
    %eq3A_12 = vector.broadcast %dot_general3A_9 : vector<1x12xf32> to vector<12x12xf32>
    %eq3A_13 = vector.broadcast %div3A : vector<12x1xf32> to vector<12x12xf32>
    %eq3A_14 = arith.cmpf oeq, %eq3A_12, %eq3A_13 : vector<12x12xf32>
    %lt3A = arith.cmpi slt, %iota3A_7, %iota3A : vector<12x12xi32>
    %and3A = arith.andi %eq3A_14, %lt3A : vector<12x12xi1>
    %or3A = arith.ori %gt3A_11, %and3A : vector<12x12xi1>
    %convert_element_type3A_15 = arith.extui %or3A : vector<12x12xi1> to vector<12x12xi32>
    %convert_element_type3A_16 = arith.sitofp %convert_element_type3A_15 : vector<12x12xi32> to vector<12x12xf32>
    %reduce_sum3A = arith.constant dense<0.000000e+00> : vector<12xf32>
    %reduce_sum3A_17 = vector.multi_reduction <add>, %convert_element_type3A_16, %reduce_sum3A [1] : vector<12x12xf32> to vector<12xf32>
    %broadcast_in_dim3A = vector.shape_cast %reduce_sum3A_17 : vector<12xf32> to vector<12x1xf32>
    %dot_general3A_18 = arith.constant dense<0.000000e+00> : vector<1x12xf32>
    %dot_general3A_19 = tpu.matmul %broadcast_in_dim3A, %convert_element_type3A_8, %dot_general3A_18 {dimension_numbers = #tpu.dot_dimension_numbers<[0], [0], [1], [1], [0, 1, 1, 1], [], []>, precision = #tpu.contract_precision<fp32>, transpose_lhs_hint = false} : vector<12x1xf32>, vector<12x12xf32>, vector<1x12xf32> -> vector<1x12xf32>
    %broadcast_in_dim3A_20 = vector.shape_cast %dot_general3A_19 : vector<1x12xf32> to vector<1x12xf32>
    %broadcast_in_dim3A_21 = vector.broadcast %broadcast_in_dim3A_20 : vector<1x12xf32> to vector<12x12xf32>
    %iota3A_22 = tpu.iota {dimensions = array<i32: 0>} : vector<12x12xi32>
    %convert_element_type3A_23 = arith.sitofp %iota3A_22 : vector<12x12xi32> to vector<12x12xf32>
    %eq3A_24 = arith.cmpf oeq, %broadcast_in_dim3A_21, %convert_element_type3A_23 : vector<12x12xf32>
    %convert_element_type3A_25 = arith.extui %eq3A_24 : vector<12x12xi1> to vector<12x12xi32>
    %convert_element_type3A_26 = arith.sitofp %convert_element_type3A_25 : vector<12x12xi32> to vector<12x12xf32>
    %iota3A_27 = tpu.iota {dimensions = array<i32: 0>} : vector<12x1xi32>
    %convert_element_type3A_28 = arith.sitofp %iota3A_27 : vector<12x1xi32> to vector<12x1xf32>
    %dot_general3A_29 = arith.constant dense<0.000000e+00> : vector<12x1xf32>
    %dot_general3A_30 = tpu.matmul %convert_element_type3A_26, %convert_element_type3A_28, %dot_general3A_29 {dimension_numbers = #tpu.dot_dimension_numbers<[1], [0], [0], [1], [0, 0, 1, 1], [], []>, precision = #tpu.contract_precision<fp32>, transpose_lhs_hint = false} : vector<12x12xf32>, vector<12x1xf32>, vector<12x1xf32> -> vector<12x1xf32>
    %broadcast_in_dim3A_31 = vector.shape_cast %dot_general3A_30 : vector<12x1xf32> to vector<12x1xf32>
    %broadcast_in_dim3A_32 = vector.broadcast %broadcast_in_dim3A_31 : vector<12x1xf32> to vector<12x128xf32>
    %swap3A = arith.constant 0 : index
    %swap3A_33 = arith.constant 0 : index
    %swap3A_34 = vector.load %arg3[%swap3A, %swap3A_33] : memref<12x128xf32, #tpu.memory_space<vmem>>, vector<12x128xf32>
    tpu.vector_store %arg3[%swap3A, %swap3A_33], %broadcast_in_dim3A_32 {strides = array<i32>} : memref<12x128xf32, #tpu.memory_space<vmem>>, vector<12x128xf32>,
    %iota3A_35 = tpu.iota {dimensions = array<i32: 1>} : vector<12x128xi32>
    %lt3A_36 = arith.constant 10 : i32
    %lt3A_37 = vector.broadcast %lt3A_36 : i32 to vector<12x128xi32>
    %lt3A_38 = arith.cmpi slt, %iota3A_35, %lt3A_37 : vector<12x128xi32>
    %add3A_39 = arith.constant 2 : i32
    %add3A_40 = vector.broadcast %add3A_39 : i32 to vector<12x128xi32>
    %add3A_41 = arith.addi %iota3A_35, %add3A_40 : vector<12x128xi32>
    %lt3A_42 = arith.constant 12 : i32
    %lt3A_43 = vector.broadcast %lt3A_42 : i32 to vector<12x128xi32>
    %lt3A_44 = arith.cmpi slt, %iota3A_35, %lt3A_43 : vector<12x128xi32>
    %sub3A = arith.constant 10 : i32
    %sub3A_45 = vector.broadcast %sub3A : i32 to vector<12x128xi32>
    %sub3A_46 = arith.subi %iota3A_35, %sub3A_45 : vector<12x128xi32>
    %jit3A = arith.constant 99 : i32
    %broadcast_in_dim3A_47 = vector.broadcast %jit3A : i32 to vector<12x128xi32>
    %select_n3A = arith.select %lt3A_44, %sub3A_46, %broadcast_in_dim3A_47 : vector<12x128xi1>, vector<12x128xi32>
    %select_n3A_48 = arith.select %lt3A_38, %add3A_41, %select_n3A : vector<12x128xi1>, vector<12x128xi32>
    %convert_element_type3A_49 = arith.sitofp %select_n3A_48 : vector<12x128xi32> to vector<12x128xf32>
    %broadcast_in_dim3A_50 = vector.shape_cast %broadcast_in_dim3A : vector<12x1xf32> to vector<12x1xf32>
    %broadcast_in_dim3A_51 = vector.broadcast %broadcast_in_dim3A_50 : vector<12x1xf32> to vector<12x128xf32>
    %eq3A_52 = arith.cmpf oeq, %broadcast_in_dim3A_51, %convert_element_type3A_49 : vector<12x128xf32>
    %convert_element_type3A_53 = arith.extui %eq3A_52 : vector<12x128xi1> to vector<12x128xi32>
    %convert_element_type3A_54 = arith.sitofp %convert_element_type3A_53 : vector<12x128xi32> to vector<12x128xf32>
    %dot_general3A_55 = arith.constant dense<0.000000e+00> : vector<1x128xf32>
    %dot_general3A_56 = tpu.matmul %convert_element_type3A_28, %convert_element_type3A_54, %dot_general3A_55 {dimension_numbers = #tpu.dot_dimension_numbers<[0], [0], [1], [1], [0, 1, 1, 1], [], []>, precision = #tpu.contract_precision<fp32>, transpose_lhs_hint = false} : vector<12x1xf32>, vector<12x128xf32>, vector<1x128xf32> -> vector<1x128xf32>
    %swap3A_57 = arith.constant 0 : index
    %swap3A_58 = arith.constant 0 : index
    %swap3A_59 = vector.load %arg4[%swap3A_57, %swap3A_58] : memref<1x128xf32, #tpu.memory_space<vmem>>, vector<1x128xf32>
    tpu.vector_store %arg4[%swap3A_57, %swap3A_58], %dot_general3A_56 {strides = array<i32>} : memref<1x128xf32, #tpu.memory_space<vmem>>, vector<1x128xf32>,
    %iota3A_60 = tpu.iota {dimensions = array<i32: 0>} : vector<10x12xi32>
    %broadcast_in_dim3A_61 = vector.shape_cast %dot_general3A_19 : vector<1x12xf32> to vector<1x12xf32>
    %broadcast_in_dim3A_62 = vector.broadcast %broadcast_in_dim3A_61 : vector<1x12xf32> to vector<10x12xf32>
    %add3A_63 = arith.constant 2 : i32
    %add3A_64 = vector.broadcast %add3A_63 : i32 to vector<10x12xi32>
    %add3A_65 = arith.addi %iota3A_60, %add3A_64 : vector<10x12xi32>
    %convert_element_type3A_66 = arith.sitofp %add3A_65 : vector<10x12xi32> to vector<10x12xf32>
    %eq3A_67 = arith.cmpf oeq, %broadcast_in_dim3A_62, %convert_element_type3A_66 : vector<10x12xf32>
    %convert_element_type3A_68 = arith.extui %eq3A_67 : vector<10x12xi1> to vector<10x12xi32>
    %convert_element_type3A_69 = arith.sitofp %convert_element_type3A_68 : vector<10x12xi32> to vector<10x12xf32>
    %get3A_70 = arith.constant 0 : index
    %get3A_71 = arith.constant 0 : index
    %get3A_72 = arith.constant 0 : index
    %get3A_73 = vector.load %arg2[%get3A_70, %get3A_71, %get3A_72] : memref<12x1x2048xf32, #tpu.memory_space<vmem>>, vector<12x1x2048xf32>
    %get3A_74 = vector.shape_cast %get3A_73 : vector<12x1x2048xf32> to vector<12x2048xf32>
    %dot_general3A_75 = arith.constant dense<0.000000e+00> : vector<10x2048xf32>
    %dot_general3A_76 = tpu.matmul %convert_element_type3A_69, %get3A_74, %dot_general3A_75 {dimension_numbers = #tpu.dot_dimension_numbers<[1], [0], [0], [1], [0, 0, 1, 1], [], []>, precision = #tpu.contract_precision<fp32>, transpose_lhs_hint = false} : vector<10x12xf32>, vector<12x2048xf32>, vector<10x2048xf32> -> vector<10x2048xf32>
    %slice3A_77 = vector.extract_strided_slice %dot_general3A_76 {offsets = [8, 0], sizes = [2, 2048], strides = [1, 1]} : vector<10x2048xf32> to vector<2x2048xf32>
    %broadcast_in_dim3A_78 = arith.constant 0.000000e+00 : f32
    %broadcast_in_dim3A_79 = vector.broadcast %broadcast_in_dim3A_78 : f32 to vector<6x2048xf32>
    %concatenate3A = tpu.concatenate %slice3A_77, %broadcast_in_dim3A_79 in 0 : vector<2x2048xf32>, vector<6x2048xf32> -> vector<8x2048xf32>
    %slice3A_80 = vector.extract_strided_slice %dot_general3A_76 {offsets = [0, 0], sizes = [8, 2048], strides = [1, 1]} : vector<10x2048xf32> to vector<8x2048xf32>
    %add3A_81 = arith.addf %slice3A_80, %concatenate3A : vector<8x2048xf32>
    %slice3A_82 = vector.extract_strided_slice %add3A_81 {offsets = [0, 0], sizes = [4, 2048], strides = [1, 1]} : vector<8x2048xf32> to vector<4x2048xf32>
    %slice3A_83 = vector.extract_strided_slice %add3A_81 {offsets = [4, 0], sizes = [4, 2048], strides = [1, 1]} : vector<8x2048xf32> to vector<4x2048xf32>
    %add3A_84 = arith.addf %slice3A_82, %slice3A_83 : vector<4x2048xf32>
    %slice3A_85 = vector.extract_strided_slice %add3A_84 {offsets = [0, 0], sizes = [2, 2048], strides = [1, 1]} : vector<4x2048xf32> to vector<2x2048xf32>
    %slice3A_86 = vector.extract_strided_slice %add3A_84 {offsets = [2, 0], sizes = [2, 2048], strides = [1, 1]} : vector<4x2048xf32> to vector<2x2048xf32>
    %add3A_87 = arith.addf %slice3A_85, %slice3A_86 : vector<2x2048xf32>
    %slice3A_88 = vector.extract_strided_slice %add3A_87 {offsets = [0, 0], sizes = [1, 2048], strides = [1, 1]} : vector<2x2048xf32> to vector<1x2048xf32>
    %slice3A_89 = vector.extract_strided_slice %add3A_87 {offsets = [1, 0], sizes = [1, 2048], strides = [1, 1]} : vector<2x2048xf32> to vector<1x2048xf32>
    %add3A_90 = arith.addf %slice3A_88, %slice3A_89 : vector<1x2048xf32>
    %reduce_max3A = vector.shape_cast %add3A_90 : vector<1x2048xf32> to vector<1x1x2048xf32>
    %reduce_max3A_91 = arith.constant dense<0xFF800000> : vector<1xf32>
    %reduce_max3A_92 = vector.multi_reduction <maximumf>, %reduce_max3A, %reduce_max3A_91 [1, 2] : vector<1x1x2048xf32> to vector<1xf32>
    %reduce_max3A_93 = vector.shape_cast %reduce_max3A_92 : vector<1xf32> to vector<1x1x1xf32>
    %reduce_max3A_94 = vector.extract %reduce_max3A_93[0, 0, 0] : f32 from vector<1x1x1xf32>
    %gt3A_95 = arith.constant 0.000000e+00 : f32
    %gt3A_96 = arith.cmpf ogt, %reduce_max3A_94, %gt3A_95 : f32
    %div3A_97 = vector.broadcast %reduce_max3A_94 : f32 to vector<1x2048xf32>
    %div3A_98 = arith.divf %add3A_90, %div3A_97 : vector<1x2048xf32>
    %select_n3A_99 = arith.select %gt3A_96, %div3A_98, %add3A_90 : vector<1x2048xf32>
    %swap3A_100 = arith.constant 0 : index
    %swap3A_101 = arith.constant 0 : index
    %swap3A_102 = vector.load %arg5[%swap3A_100, %swap3A_101] : memref<1x2048xf32, #tpu.memory_space<vmem>>, vector<1x2048xf32>
    tpu.vector_store %arg5[%swap3A_100, %swap3A_101], %select_n3A_99 {strides = array<i32>} : memref<1x2048xf32, #tpu.memory_space<vmem>>, vector<1x2048xf32>,
    return
  }
  func.func @transform_0(%arg0: i32) -> (i32, i32, i32) {
    %c0_i32 = arith.constant 0 : i32
    %c0_i32_0 = arith.constant 0 : i32
    %c0_i32_1 = arith.constant 0 : i32
    %c0_i32_2 = arith.constant 0 : i32
    return %c0_i32, %c0_i32_0, %c0_i32_1 : i32, i32, i32
  }
  func.func @transform_1(%arg0: i32) -> (i32, i32, i32) {
    %c0_i32 = arith.constant 0 : i32
    %c0_i32_0 = arith.constant 0 : i32
    %c0_i32_1 = arith.constant 0 : i32
    %c0_i32_2 = arith.constant 0 : i32
    return %c0_i32, %c0_i32_0, %c0_i32_1 : i32, i32, i32
  }
  func.func @transform_2(%arg0: i32) -> (i32, i32) {
    %c0_i32 = arith.constant 0 : i32
    %c0_i32_0 = arith.constant 0 : i32
    %c0_i32_1 = arith.constant 0 : i32
    return %c0_i32, %c0_i32_0 : i32, i32
  }
  func.func @transform_3(%arg0: i32) -> (i32, i32) {
    %c0_i32 = arith.constant 0 : i32
    %c0_i32_0 = arith.constant 0 : i32
    %c0_i32_1 = arith.constant 0 : i32
    return %c0_i32, %c0_i32_0 : i32, i32
  }
  func.func @transform_4(%arg0: i32) -> (i32, i32) {
    %c0_i32 = arith.constant 0 : i32
    %c0_i32_0 = arith.constant 0 : i32
    %c0_i32_1 = arith.constant 0 : i32
    return %c0_i32, %c0_i32_0 : i32, i32
  }
}

module attributes {stable_mosaic.version = 14 : i64} {
  func.func @_attn_stats_body(%arg0: i32, %arg1: i32, %arg2: memref<1x128x2048xf32, #tpu.memory_space<vmem>>, %arg3: memref<1x1x128xf32, #tpu.memory_space<vmem>>, %arg4: memref<1x1x2048xf32, #tpu.memory_space<vmem>>) attributes {dimension_semantics = [#tpu.dimension_semantics<parallel>, #tpu.dimension_semantics<arbitrary>], iteration_bounds = array<i64: 12, 16>, scalar_prefetch = 0 : i64, scratch_operands = 0 : i64, tpu.core_type = #tpu.core_type<tc>, window_params = [{transform_indices = @transform_0, window_bounds = array<i64: 1, 128, 2048>}, {transform_indices = @transform_1, window_bounds = array<i64: 1, 1, 128>}, {transform_indices = @transform_2, window_bounds = array<i64: 1, 1, 2048>}]} {
    %get3A = arith.constant 0 : index
    %get3A_0 = arith.constant 0 : index
    %get3A_1 = arith.constant 0 : index
    %get3A_2 = vector.load %arg2[%get3A, %get3A_0, %get3A_1] : memref<1x128x2048xf32, #tpu.memory_space<vmem>>, vector<1x128x2048xf32>
    %get3A_3 = vector.shape_cast %get3A_2 : vector<1x128x2048xf32> to vector<128x2048xf32>
    %iota3A = tpu.iota {dimensions = array<i32: 0>} : vector<128x2048xi32>
    %mul3A = arith.constant 128 : i32
    %mul3A_4 = arith.muli %arg1, %mul3A : i32
    %add3A = vector.broadcast %mul3A_4 : i32 to vector<128x2048xi32>
    %add3A_5 = arith.addi %iota3A, %add3A : vector<128x2048xi32>
    %iota3A_6 = tpu.iota {dimensions = array<i32: 1>} : vector<128x2048xi32>
    %sub3A = arith.subi %add3A_5, %iota3A_6 : vector<128x2048xi32>
    %abs3A = math.absi %sub3A : vector<128x2048xi32>
    %convert_element_type3A = arith.sitofp %abs3A : vector<128x2048xi32> to vector<128x2048xf32>
    %mul3A_7 = arith.mulf %get3A_3, %convert_element_type3A : vector<128x2048xf32>
    %reduce_sum3A = vector.shape_cast %mul3A_7 : vector<128x2048xf32> to vector<1x128x2048xf32>
    %reduce_sum3A_8 = arith.constant dense<0.000000e+00> : vector<1xf32>
    %reduce_sum3A_9 = vector.multi_reduction <add>, %reduce_sum3A, %reduce_sum3A_8 [1, 2] : vector<1x128x2048xf32> to vector<1xf32>
    %reduce_sum3A_10 = vector.shape_cast %reduce_sum3A_9 : vector<1xf32> to vector<1x1x1xf32>
    %reduce_sum3A_11 = vector.extract %reduce_sum3A_10[0, 0, 0] : f32 from vector<1x1x1xf32>
    %reduce_sum3A_12 = vector.shape_cast %get3A_3 : vector<128x2048xf32> to vector<1x128x2048xf32>
    %reduce_sum3A_13 = arith.constant dense<0.000000e+00> : vector<1xf32>
    %reduce_sum3A_14 = vector.multi_reduction <add>, %reduce_sum3A_12, %reduce_sum3A_13 [1, 2] : vector<1x128x2048xf32> to vector<1xf32>
    %reduce_sum3A_15 = vector.shape_cast %reduce_sum3A_14 : vector<1xf32> to vector<1x1x1xf32>
    %reduce_sum3A_16 = vector.extract %reduce_sum3A_15[0, 0, 0] : f32 from vector<1x1x1xf32>
    %iota3A_17 = tpu.iota {dimensions = array<i32: 2>} : vector<1x1x128xi32>
    %eq3A = arith.constant 0 : i32
    %eq3A_18 = vector.broadcast %eq3A : i32 to vector<1x1x128xi32>
    %eq3A_19 = arith.cmpi eq, %iota3A_17, %eq3A_18 : vector<1x1x128xi32>
    %jit3A = arith.constant 0.000000e+00 : f32
    %broadcast_in_dim3A = vector.broadcast %reduce_sum3A_11 : f32 to vector<1x1x128xf32>
    %broadcast_in_dim3A_20 = vector.broadcast %jit3A : f32 to vector<1x1x128xf32>
    %select_n3A = arith.select %eq3A_19, %broadcast_in_dim3A, %broadcast_in_dim3A_20 : vector<1x1x128xi1>, vector<1x1x128xf32>
    %eq3A_21 = arith.constant 1 : i32
    %eq3A_22 = vector.broadcast %eq3A_21 : i32 to vector<1x1x128xi32>
    %eq3A_23 = arith.cmpi eq, %iota3A_17, %eq3A_22 : vector<1x1x128xi32>
    %jit3A_24 = arith.constant 0.000000e+00 : f32
    %broadcast_in_dim3A_25 = vector.broadcast %reduce_sum3A_16 : f32 to vector<1x1x128xf32>
    %broadcast_in_dim3A_26 = vector.broadcast %jit3A_24 : f32 to vector<1x1x128xf32>
    %select_n3A_27 = arith.select %eq3A_23, %broadcast_in_dim3A_25, %broadcast_in_dim3A_26 : vector<1x1x128xi1>, vector<1x1x128xf32>
    %add3A_28 = arith.addf %select_n3A, %select_n3A_27 : vector<1x1x128xf32>
    %eq3A_29 = arith.constant 0 : i32
    %eq3A_30 = arith.cmpi eq, %arg1, %eq3A_29 : i32
    %convert_element_type3A_31 = arith.extui %eq3A_30 : i1 to i32
    %cond3A = arith.constant 0 : i32
    %cond3A_32 = arith.cmpi ne, %convert_element_type3A_31, %cond3A : i32
    scf.if %cond3A_32 {
      %swap3A = arith.constant 0 : index
      %swap3A_42 = arith.constant 0 : index
      %swap3A_43 = arith.constant 0 : index
      %swap3A_44 = vector.load %arg3[%swap3A, %swap3A_42, %swap3A_43] : memref<1x1x128xf32, #tpu.memory_space<vmem>>, vector<1x1x128xf32>
      tpu.vector_store %arg3[%swap3A, %swap3A_42, %swap3A_43], %add3A_28 {strides = array<i32>} : memref<1x1x128xf32, #tpu.memory_space<vmem>>, vector<1x1x128xf32>,
    } else {
    }
    %gt3A = arith.constant 0 : i32
    %gt3A_33 = arith.cmpi sgt, %arg1, %gt3A : i32
    %convert_element_type3A_34 = arith.extui %gt3A_33 : i1 to i32
    %cond3A_35 = arith.constant 0 : i32
    %cond3A_36 = arith.cmpi ne, %convert_element_type3A_34, %cond3A_35 : i32
    scf.if %cond3A_36 {
      %get3A_42 = arith.constant 0 : index
      %get3A_43 = arith.constant 0 : index
      %get3A_44 = arith.constant 0 : index
      %get3A_45 = vector.load %arg3[%get3A_42, %get3A_43, %get3A_44] : memref<1x1x128xf32, #tpu.memory_space<vmem>>, vector<1x1x128xf32>
      %add3A_46 = arith.addf %get3A_45, %add3A_28 : vector<1x1x128xf32>
      %swap3A = arith.constant 0 : index
      %swap3A_47 = arith.constant 0 : index
      %swap3A_48 = arith.constant 0 : index
      %swap3A_49 = vector.load %arg3[%swap3A, %swap3A_47, %swap3A_48] : memref<1x1x128xf32, #tpu.memory_space<vmem>>, vector<1x1x128xf32>
      tpu.vector_store %arg3[%swap3A, %swap3A_47, %swap3A_48], %add3A_46 {strides = array<i32>} : memref<1x1x128xf32, #tpu.memory_space<vmem>>, vector<1x1x128xf32>,
    } else {
    }
    %eq3A_37 = arith.constant 15 : i32
    %eq3A_38 = arith.cmpi eq, %arg1, %eq3A_37 : i32
    %convert_element_type3A_39 = arith.extui %eq3A_38 : i1 to i32
    %cond3A_40 = arith.constant 0 : i32
    %cond3A_41 = arith.cmpi ne, %convert_element_type3A_39, %cond3A_40 : i32
    scf.if %cond3A_41 {
      %slice3A = vector.extract_strided_slice %get3A_3 {offsets = [0, 0], sizes = [8, 2048], strides = [1, 1]} : vector<128x2048xf32> to vector<8x2048xf32>
      %slice3A_42 = vector.extract_strided_slice %get3A_3 {offsets = [8, 0], sizes = [8, 2048], strides = [1, 1]} : vector<128x2048xf32> to vector<8x2048xf32>
      %add3A_43 = arith.addf %slice3A, %slice3A_42 : vector<8x2048xf32>
      %slice3A_44 = vector.extract_strided_slice %get3A_3 {offsets = [16, 0], sizes = [8, 2048], strides = [1, 1]} : vector<128x2048xf32> to vector<8x2048xf32>
      %add3A_45 = arith.addf %add3A_43, %slice3A_44 : vector<8x2048xf32>
      %slice3A_46 = vector.extract_strided_slice %get3A_3 {offsets = [24, 0], sizes = [8, 2048], strides = [1, 1]} : vector<128x2048xf32> to vector<8x2048xf32>
      %add3A_47 = arith.addf %add3A_45, %slice3A_46 : vector<8x2048xf32>
      %slice3A_48 = vector.extract_strided_slice %get3A_3 {offsets = [32, 0], sizes = [8, 2048], strides = [1, 1]} : vector<128x2048xf32> to vector<8x2048xf32>
      %add3A_49 = arith.addf %add3A_47, %slice3A_48 : vector<8x2048xf32>
      %slice3A_50 = vector.extract_strided_slice %get3A_3 {offsets = [40, 0], sizes = [8, 2048], strides = [1, 1]} : vector<128x2048xf32> to vector<8x2048xf32>
      %add3A_51 = arith.addf %add3A_49, %slice3A_50 : vector<8x2048xf32>
      %slice3A_52 = vector.extract_strided_slice %get3A_3 {offsets = [48, 0], sizes = [8, 2048], strides = [1, 1]} : vector<128x2048xf32> to vector<8x2048xf32>
      %add3A_53 = arith.addf %add3A_51, %slice3A_52 : vector<8x2048xf32>
      %slice3A_54 = vector.extract_strided_slice %get3A_3 {offsets = [56, 0], sizes = [8, 2048], strides = [1, 1]} : vector<128x2048xf32> to vector<8x2048xf32>
      %add3A_55 = arith.addf %add3A_53, %slice3A_54 : vector<8x2048xf32>
      %slice3A_56 = vector.extract_strided_slice %get3A_3 {offsets = [64, 0], sizes = [8, 2048], strides = [1, 1]} : vector<128x2048xf32> to vector<8x2048xf32>
      %add3A_57 = arith.addf %add3A_55, %slice3A_56 : vector<8x2048xf32>
      %slice3A_58 = vector.extract_strided_slice %get3A_3 {offsets = [72, 0], sizes = [8, 2048], strides = [1, 1]} : vector<128x2048xf32> to vector<8x2048xf32>
      %add3A_59 = arith.addf %add3A_57, %slice3A_58 : vector<8x2048xf32>
      %slice3A_60 = vector.extract_strided_slice %get3A_3 {offsets = [80, 0], sizes = [8, 2048], strides = [1, 1]} : vector<128x2048xf32> to vector<8x2048xf32>
      %add3A_61 = arith.addf %add3A_59, %slice3A_60 : vector<8x2048xf32>
      %slice3A_62 = vector.extract_strided_slice %get3A_3 {offsets = [88, 0], sizes = [8, 2048], strides = [1, 1]} : vector<128x2048xf32> to vector<8x2048xf32>
      %add3A_63 = arith.addf %add3A_61, %slice3A_62 : vector<8x2048xf32>
      %slice3A_64 = vector.extract_strided_slice %get3A_3 {offsets = [96, 0], sizes = [8, 2048], strides = [1, 1]} : vector<128x2048xf32> to vector<8x2048xf32>
      %add3A_65 = arith.addf %add3A_63, %slice3A_64 : vector<8x2048xf32>
      %slice3A_66 = vector.extract_strided_slice %get3A_3 {offsets = [104, 0], sizes = [8, 2048], strides = [1, 1]} : vector<128x2048xf32> to vector<8x2048xf32>
      %add3A_67 = arith.addf %add3A_65, %slice3A_66 : vector<8x2048xf32>
      %slice3A_68 = vector.extract_strided_slice %get3A_3 {offsets = [112, 0], sizes = [8, 2048], strides = [1, 1]} : vector<128x2048xf32> to vector<8x2048xf32>
      %add3A_69 = arith.addf %add3A_67, %slice3A_68 : vector<8x2048xf32>
      %slice3A_70 = vector.extract_strided_slice %get3A_3 {offsets = [120, 0], sizes = [8, 2048], strides = [1, 1]} : vector<128x2048xf32> to vector<8x2048xf32>
      %add3A_71 = arith.addf %add3A_69, %slice3A_70 : vector<8x2048xf32>
      %slice3A_72 = vector.extract_strided_slice %add3A_71 {offsets = [0, 0], sizes = [4, 2048], strides = [1, 1]} : vector<8x2048xf32> to vector<4x2048xf32>
      %slice3A_73 = vector.extract_strided_slice %add3A_71 {offsets = [4, 0], sizes = [4, 2048], strides = [1, 1]} : vector<8x2048xf32> to vector<4x2048xf32>
      %add3A_74 = arith.addf %slice3A_72, %slice3A_73 : vector<4x2048xf32>
      %slice3A_75 = vector.extract_strided_slice %add3A_74 {offsets = [0, 0], sizes = [2, 2048], strides = [1, 1]} : vector<4x2048xf32> to vector<2x2048xf32>
      %slice3A_76 = vector.extract_strided_slice %add3A_74 {offsets = [2, 0], sizes = [2, 2048], strides = [1, 1]} : vector<4x2048xf32> to vector<2x2048xf32>
      %add3A_77 = arith.addf %slice3A_75, %slice3A_76 : vector<2x2048xf32>
      %slice3A_78 = vector.extract_strided_slice %add3A_77 {offsets = [0, 0], sizes = [1, 2048], strides = [1, 1]} : vector<2x2048xf32> to vector<1x2048xf32>
      %slice3A_79 = vector.extract_strided_slice %add3A_77 {offsets = [1, 0], sizes = [1, 2048], strides = [1, 1]} : vector<2x2048xf32> to vector<1x2048xf32>
      %add3A_80 = arith.addf %slice3A_78, %slice3A_79 : vector<1x2048xf32>
      %reshape3A = vector.shape_cast %add3A_80 : vector<1x2048xf32> to vector<1x1x2048xf32>
      %swap3A = arith.constant 0 : index
      %swap3A_81 = arith.constant 0 : index
      %swap3A_82 = arith.constant 0 : index
      %swap3A_83 = vector.load %arg4[%swap3A, %swap3A_81, %swap3A_82] : memref<1x1x2048xf32, #tpu.memory_space<vmem>>, vector<1x1x2048xf32>
      tpu.vector_store %arg4[%swap3A, %swap3A_81, %swap3A_82], %reshape3A {strides = array<i32>} : memref<1x1x2048xf32, #tpu.memory_space<vmem>>, vector<1x1x2048xf32>,
    } else {
    }
    return
  }
  func.func @transform_0(%arg0: i32, %arg1: i32) -> (i32, i32, i32) {
    %c0_i32 = arith.constant 0 : i32
    %c0_i32_0 = arith.constant 0 : i32
    return %arg0, %arg1, %c0_i32 : i32, i32, i32
  }
  func.func @transform_1(%arg0: i32, %arg1: i32) -> (i32, i32, i32) {
    %c0_i32 = arith.constant 0 : i32
    %c0_i32_0 = arith.constant 0 : i32
    %c0_i32_1 = arith.constant 0 : i32
    return %arg0, %c0_i32, %c0_i32_0 : i32, i32, i32
  }
  func.func @transform_2(%arg0: i32, %arg1: i32) -> (i32, i32, i32) {
    %c0_i32 = arith.constant 0 : i32
    %c0_i32_0 = arith.constant 0 : i32
    %c0_i32_1 = arith.constant 0 : i32
    return %arg0, %c0_i32, %c0_i32_0 : i32, i32, i32
  }
}

module attributes {stable_mosaic.version = 14 : i64} {
  func.func @_rank_body(%arg0: i32, %arg1: memref<2048x1xf32, #tpu.memory_space<vmem>>, %arg2: memref<1x256xf32, #tpu.memory_space<vmem>>, %arg3: memref<256x768xf32, #tpu.memory_space<vmem>>, %arg4: memref<256x768xf32, #tpu.memory_space<vmem>>, %arg5: memref<1x1x256xf32, #tpu.memory_space<vmem>>, %arg6: memref<1x1x768xf32, #tpu.memory_space<vmem>>, %arg7: memref<1x1x768xf32, #tpu.memory_space<vmem>>) attributes {dimension_semantics = [#tpu.dimension_semantics<arbitrary>], iteration_bounds = array<i64: 8>, scalar_prefetch = 0 : i64, scratch_operands = 0 : i64, tpu.core_type = #tpu.core_type<tc>, window_params = [{pipeline_mode = #tpu.pipeline_mode<synchronous>, transform_indices = @transform_0, window_bounds = array<i64: 2048, 1>}, {transform_indices = @transform_1, window_bounds = array<i64: 1, 256>}, {transform_indices = @transform_2, window_bounds = array<i64: 256, 768>}, {transform_indices = @transform_3, window_bounds = array<i64: 256, 768>}, {transform_indices = @transform_4, window_bounds = array<i64: 1, 1, 256>}, {transform_indices = @transform_5, window_bounds = array<i64: 1, 1, 768>}, {transform_indices = @transform_6, window_bounds = array<i64: 1, 1, 768>}]} {
    %get3A = arith.constant 0 : index
    %get3A_0 = arith.constant 0 : index
    %get3A_1 = vector.load %arg1[%get3A, %get3A_0] : memref<2048x1xf32, #tpu.memory_space<vmem>>, vector<2048x1xf32>
    %get3A_2 = arith.constant 0 : index
    %get3A_3 = arith.constant 0 : index
    %get3A_4 = vector.load %arg2[%get3A_2, %get3A_3] : memref<1x256xf32, #tpu.memory_space<vmem>>, vector<1x256xf32>
    %iota3A = tpu.iota {dimensions = array<i32: 0>} : vector<2048x256xi32>
    %iota3A_5 = tpu.iota {dimensions = array<i32: 1>} : vector<2048x256xi32>
    %mul3A = arith.constant 256 : i32
    %mul3A_6 = arith.muli %arg0, %mul3A : i32
    %add3A = vector.broadcast %mul3A_6 : i32 to vector<2048x256xi32>
    %add3A_7 = arith.addi %iota3A_5, %add3A : vector<2048x256xi32>
    %gt3A = vector.broadcast %get3A_1 : vector<2048x1xf32> to vector<2048x256xf32>
    %gt3A_8 = vector.broadcast %get3A_4 : vector<1x256xf32> to vector<2048x256xf32>
    %gt3A_9 = arith.cmpf ogt, %gt3A, %gt3A_8 : vector<2048x256xf32>
    %eq3A = vector.broadcast %get3A_1 : vector<2048x1xf32> to vector<2048x256xf32>
    %eq3A_10 = vector.broadcast %get3A_4 : vector<1x256xf32> to vector<2048x256xf32>
    %eq3A_11 = arith.cmpf oeq, %eq3A, %eq3A_10 : vector<2048x256xf32>
    %lt3A = arith.cmpi slt, %iota3A, %add3A_7 : vector<2048x256xi32>
    %and3A = arith.andi %eq3A_11, %lt3A : vector<2048x256xi1>
    %or3A = arith.ori %gt3A_9, %and3A : vector<2048x256xi1>
    %convert_element_type3A = arith.extui %or3A : vector<2048x256xi1> to vector<2048x256xi32>
    %convert_element_type3A_12 = arith.sitofp %convert_element_type3A : vector<2048x256xi32> to vector<2048x256xf32>
    %reduce_sum3A = arith.constant dense<0.000000e+00> : vector<256xf32>
    %reduce_sum3A_13 = vector.multi_reduction <add>, %convert_element_type3A_12, %reduce_sum3A [0] : vector<2048x256xf32> to vector<256xf32>
    %broadcast_in_dim3A = vector.shape_cast %reduce_sum3A_13 : vector<256xf32> to vector<1x256xf32>
    %reshape3A = vector.shape_cast %broadcast_in_dim3A : vector<1x256xf32> to vector<1x1x256xf32>
    %swap3A = arith.constant 0 : index
    %swap3A_14 = arith.constant 0 : index
    %swap3A_15 = arith.constant 0 : index
    %swap3A_16 = vector.load %arg5[%swap3A, %swap3A_14, %swap3A_15] : memref<1x1x256xf32, #tpu.memory_space<vmem>>, vector<1x1x256xf32>
    tpu.vector_store %arg5[%swap3A, %swap3A_14, %swap3A_15], %reshape3A {strides = array<i32>} : memref<1x1x256xf32, #tpu.memory_space<vmem>>, vector<1x1x256xf32>,
    %ge3A = arith.constant 6.140000e+02 : f32
    %ge3A_17 = vector.broadcast %ge3A : f32 to vector<1x256xf32>
    %ge3A_18 = arith.cmpf oge, %broadcast_in_dim3A, %ge3A_17 : vector<1x256xf32>
    %convert_element_type3A_19 = arith.extui %ge3A_18 : vector<1x256xi1> to vector<1x256xi32>
    %convert_element_type3A_20 = arith.sitofp %convert_element_type3A_19 : vector<1x256xi32> to vector<1x256xf32>
    %get3A_21 = arith.constant 0 : index
    %get3A_22 = arith.constant 0 : index
    %get3A_23 = vector.load %arg3[%get3A_21, %get3A_22] : memref<256x768xf32, #tpu.memory_space<vmem>>, vector<256x768xf32>
    %get3A_24 = arith.constant 0 : index
    %get3A_25 = arith.constant 0 : index
    %get3A_26 = vector.load %arg4[%get3A_24, %get3A_25] : memref<256x768xf32, #tpu.memory_space<vmem>>, vector<256x768xf32>
    %dot_general3A = arith.constant dense<0.000000e+00> : vector<1x768xf32>
    %dot_general3A_27 = tpu.matmul %convert_element_type3A_20, %get3A_23, %dot_general3A {dimension_numbers = #tpu.dot_dimension_numbers<[1], [0], [0], [1], [0, 0, 1, 1], [], []>, precision = #tpu.contract_precision<fp32>, transpose_lhs_hint = false} : vector<1x256xf32>, vector<256x768xf32>, vector<1x768xf32> -> vector<1x768xf32>
    %dot_general3A_28 = arith.constant dense<0.000000e+00> : vector<1x768xf32>
    %dot_general3A_29 = tpu.matmul %convert_element_type3A_20, %get3A_26, %dot_general3A_28 {dimension_numbers = #tpu.dot_dimension_numbers<[1], [0], [0], [1], [0, 0, 1, 1], [], []>, precision = #tpu.contract_precision<fp32>, transpose_lhs_hint = false} : vector<1x256xf32>, vector<256x768xf32>, vector<1x768xf32> -> vector<1x768xf32>
    %reshape3A_30 = vector.shape_cast %dot_general3A_27 : vector<1x768xf32> to vector<1x1x768xf32>
    %swap3A_31 = arith.constant 0 : index
    %swap3A_32 = arith.constant 0 : index
    %swap3A_33 = arith.constant 0 : index
    %swap3A_34 = vector.load %arg6[%swap3A_31, %swap3A_32, %swap3A_33] : memref<1x1x768xf32, #tpu.memory_space<vmem>>, vector<1x1x768xf32>
    tpu.vector_store %arg6[%swap3A_31, %swap3A_32, %swap3A_33], %reshape3A_30 {strides = array<i32>} : memref<1x1x768xf32, #tpu.memory_space<vmem>>, vector<1x1x768xf32>,
    %reshape3A_35 = vector.shape_cast %dot_general3A_29 : vector<1x768xf32> to vector<1x1x768xf32>
    %swap3A_36 = arith.constant 0 : index
    %swap3A_37 = arith.constant 0 : index
    %swap3A_38 = arith.constant 0 : index
    %swap3A_39 = vector.load %arg7[%swap3A_36, %swap3A_37, %swap3A_38] : memref<1x1x768xf32, #tpu.memory_space<vmem>>, vector<1x1x768xf32>
    tpu.vector_store %arg7[%swap3A_36, %swap3A_37, %swap3A_38], %reshape3A_35 {strides = array<i32>} : memref<1x1x768xf32, #tpu.memory_space<vmem>>, vector<1x1x768xf32>,
    return
  }
  func.func @transform_0(%arg0: i32) -> (i32, i32) {
    %c0_i32 = arith.constant 0 : i32
    %c0_i32_0 = arith.constant 0 : i32
    %c0_i32_1 = arith.constant 0 : i32
    return %c0_i32, %c0_i32_0 : i32, i32
  }
  func.func @transform_1(%arg0: i32) -> (i32, i32) {
    %c0_i32 = arith.constant 0 : i32
    %c0_i32_0 = arith.constant 0 : i32
    return %c0_i32, %arg0 : i32, i32
  }
  func.func @transform_2(%arg0: i32) -> (i32, i32) {
    %c0_i32 = arith.constant 0 : i32
    %c0_i32_0 = arith.constant 0 : i32
    return %arg0, %c0_i32 : i32, i32
  }
  func.func @transform_3(%arg0: i32) -> (i32, i32) {
    %c0_i32 = arith.constant 0 : i32
    %c0_i32_0 = arith.constant 0 : i32
    return %arg0, %c0_i32 : i32, i32
  }
  func.func @transform_4(%arg0: i32) -> (i32, i32, i32) {
    %c0_i32 = arith.constant 0 : i32
    %c0_i32_0 = arith.constant 0 : i32
    %c0_i32_1 = arith.constant 0 : i32
    return %arg0, %c0_i32, %c0_i32_0 : i32, i32, i32
  }
  func.func @transform_5(%arg0: i32) -> (i32, i32, i32) {
    %c0_i32 = arith.constant 0 : i32
    %c0_i32_0 = arith.constant 0 : i32
    %c0_i32_1 = arith.constant 0 : i32
    return %arg0, %c0_i32, %c0_i32_0 : i32, i32, i32
  }
  func.func @transform_6(%arg0: i32) -> (i32, i32, i32) {
    %c0_i32 = arith.constant 0 : i32
    %c0_i32_0 = arith.constant 0 : i32
    %c0_i32_1 = arith.constant 0 : i32
    return %arg0, %c0_i32, %c0_i32_0 : i32, i32, i32
  }
}

module attributes {stable_mosaic.version = 14 : i64} {
  func.func @_glist_body(%arg0: i32, %arg1: memref<1x2048xf32, #tpu.memory_space<vmem>>, %arg2: memref<1x128xf32, #tpu.memory_space<vmem>>, %arg3: memref<128x128xi32, #tpu.memory_space<vmem>>) attributes {dimension_semantics = [#tpu.dimension_semantics<arbitrary>], iteration_bounds = array<i64: 16>, scalar_prefetch = 0 : i64, scratch_operands = 0 : i64, tpu.core_type = #tpu.core_type<tc>, window_params = [{pipeline_mode = #tpu.pipeline_mode<synchronous>, transform_indices = @transform_0, window_bounds = array<i64: 1, 2048>}, {pipeline_mode = #tpu.pipeline_mode<synchronous>, transform_indices = @transform_1, window_bounds = array<i64: 1, 128>}, {transform_indices = @transform_2, window_bounds = array<i64: 128, 128>}]} {
    %get3A = arith.constant 0 : index
    %get3A_0 = arith.constant 0 : index
    %get3A_1 = vector.load %arg1[%get3A, %get3A_0] : memref<1x2048xf32, #tpu.memory_space<vmem>>, vector<1x2048xf32>
    %iota3A = tpu.iota {dimensions = array<i32: 0>} : vector<128x2048xi32>
    %mul3A = arith.constant 128 : i32
    %mul3A_2 = arith.muli %arg0, %mul3A : i32
    %add3A = vector.broadcast %mul3A_2 : i32 to vector<128x2048xi32>
    %add3A_3 = arith.addi %iota3A, %add3A : vector<128x2048xi32>
    %convert_element_type3A = arith.sitofp %add3A_3 : vector<128x2048xi32> to vector<128x2048xf32>
    %broadcast_in_dim3A = vector.shape_cast %get3A_1 : vector<1x2048xf32> to vector<1x2048xf32>
    %broadcast_in_dim3A_4 = vector.broadcast %broadcast_in_dim3A : vector<1x2048xf32> to vector<128x2048xf32>
    %eq3A = arith.cmpf oeq, %broadcast_in_dim3A_4, %convert_element_type3A : vector<128x2048xf32>
    %convert_element_type3A_5 = arith.extui %eq3A : vector<128x2048xi1> to vector<128x2048xi32>
    %convert_element_type3A_6 = arith.sitofp %convert_element_type3A_5 : vector<128x2048xi32> to vector<128x2048xf32>
    %iota3A_7 = tpu.iota {dimensions = array<i32: 1>} : vector<128x2048xi32>
    %convert_element_type3A_8 = arith.sitofp %iota3A_7 : vector<128x2048xi32> to vector<128x2048xf32>
    %mul3A_9 = arith.mulf %convert_element_type3A_6, %convert_element_type3A_8 : vector<128x2048xf32>
    %reduce_sum3A = arith.constant dense<0.000000e+00> : vector<128xf32>
    %reduce_sum3A_10 = vector.multi_reduction <add>, %mul3A_9, %reduce_sum3A [1] : vector<128x2048xf32> to vector<128xf32>
    %broadcast_in_dim3A_11 = vector.shape_cast %reduce_sum3A_10 : vector<128xf32> to vector<128x1xf32>
    %get3A_12 = arith.constant 0 : index
    %get3A_13 = arith.constant 0 : index
    %get3A_14 = vector.load %arg2[%get3A_12, %get3A_13] : memref<1x128xf32, #tpu.memory_space<vmem>>, vector<1x128xf32>
    %iota3A_15 = tpu.iota {dimensions = array<i32: 1>} : vector<128x128xi32>
    %iota3A_16 = tpu.iota {dimensions = array<i32: 0>} : vector<128x128xi32>
    %mul3A_17 = arith.constant 128 : i32
    %mul3A_18 = arith.muli %arg0, %mul3A_17 : i32
    %add3A_19 = vector.broadcast %mul3A_18 : i32 to vector<128x128xi32>
    %add3A_20 = arith.addi %iota3A_16, %add3A_19 : vector<128x128xi32>
    %convert_element_type3A_21 = arith.sitofp %add3A_20 : vector<128x128xi32> to vector<128x128xf32>
    %lt3A = arith.constant 10 : i32
    %lt3A_22 = vector.broadcast %lt3A : i32 to vector<128x128xi32>
    %lt3A_23 = arith.cmpi slt, %iota3A_15, %lt3A_22 : vector<128x128xi32>
    %broadcast_in_dim3A_24 = vector.shape_cast %broadcast_in_dim3A_11 : vector<128x1xf32> to vector<128x1xf32>
    %broadcast_in_dim3A_25 = vector.broadcast %broadcast_in_dim3A_24 : vector<128x1xf32> to vector<128x128xf32>
    %select_n3A = arith.select %lt3A_23, %broadcast_in_dim3A_25, %convert_element_type3A_21 : vector<128x128xi1>, vector<128x128xf32>
    %mul3A_26 = arith.constant 1.200000e+01 : f32
    %mul3A_27 = vector.broadcast %mul3A_26 : f32 to vector<128x128xf32>
    %mul3A_28 = arith.mulf %select_n3A, %mul3A_27 : vector<128x128xf32>
    %broadcast_in_dim3A_29 = vector.shape_cast %get3A_14 : vector<1x128xf32> to vector<1x128xf32>
    %broadcast_in_dim3A_30 = vector.broadcast %broadcast_in_dim3A_29 : vector<1x128xf32> to vector<128x128xf32>
    %add3A_31 = arith.addf %mul3A_28, %broadcast_in_dim3A_30 : vector<128x128xf32>
    %convert_element_type3A_32 = arith.fptosi %add3A_31 : vector<128x128xf32> to vector<128x128xi32>
    %swap3A = arith.constant 0 : index
    %swap3A_33 = arith.constant 0 : index
    %swap3A_34 = vector.load %arg3[%swap3A, %swap3A_33] : memref<128x128xi32, #tpu.memory_space<vmem>>, vector<128x128xi32>
    tpu.vector_store %arg3[%swap3A, %swap3A_33], %convert_element_type3A_32 {strides = array<i32>} : memref<128x128xi32, #tpu.memory_space<vmem>>, vector<128x128xi32>,
    return
  }
  func.func @transform_0(%arg0: i32) -> (i32, i32) {
    %c0_i32 = arith.constant 0 : i32
    %c0_i32_0 = arith.constant 0 : i32
    %c0_i32_1 = arith.constant 0 : i32
    return %c0_i32, %c0_i32_0 : i32, i32
  }
  func.func @transform_1(%arg0: i32) -> (i32, i32) {
    %c0_i32 = arith.constant 0 : i32
    %c0_i32_0 = arith.constant 0 : i32
    %c0_i32_1 = arith.constant 0 : i32
    return %c0_i32, %c0_i32_0 : i32, i32
  }
  func.func @transform_2(%arg0: i32) -> (i32, i32) {
    %c0_i32 = arith.constant 0 : i32
    %c0_i32_0 = arith.constant 0 : i32
    return %arg0, %c0_i32 : i32, i32
  }
}

</mosaic_0001>

<sc_bundles>
// kernel: kernel.7.cloned.1.call-start
scs
__scs_entry_jumppad:
0x0: {  	(pc) =	sbr.rel $0x88, $3  }
0x1: {  	(tag) =	ssettag $0x0;
	lr =	simm.s32 $0x1  }
0x2: {  	[smem:$0x3F9E] =	sst lr;
	_ =	strace $0xD0000000  }
0x3: {  	_ = 	snop  }
0x4: {  	_ = 	snop  }
0x5: {  	_ = 	snop  }
0x6: {  	_ = 	snop  }
0x7: {  	_ = 	snop  }
__scs_overlays_trampoline_lowered:
0x8: {  	[smem:$0x3FAD] =	sst s0  }
0x9: {  	[smem:$0x3FAE] =	sst s1  }
0xa: {  	[smem:$0x3FAF] =	sst s2  }
0xb: {  	[smem:$0x3FB0] =	sst s3  }
0xc: {  	[smem:$0x3FB1] =	sst s4  }
0xd: {  	[smem:$0x3FB2] =	sst s5  }
0xe: {  	[smem:$0x3FB3] =	sst s6  }
0xf: {  	[smem:$0x3FB4] =	sst s7  }
0x10: {  	[smem:$0x3FB5] =	sst s8  }
0x11: {  	[smem:$0x3FB6] =	sst s9;
	s0 =	simm.s32 @!p0 $0x0  }
0x12: {  	s1 =	sld [smem:$0x3F9C];
	s0 =	simm.s32 @p0 $0x1  }
0x13: {  	[smem:$0x3FB7] =	sst s0;
	s0 =	simm.s32 @!p1 $0x0  }
0x14: {  	s2 =	sld [smem:$0x3F9B];
	s0 =	simm.s32 @p1 $0x1  }
0x15: {  	[smem:$0x3FB8] =	sst s0;
	s0 =	simm.s32 @!p2 $0x0  }
0x16: {  	s3 =	sld [smem:$0x3FDB];
	s0 =	simm.s32 @p2 $0x1  }
0x17: {  	s4 =	simm.s32 $0x1BF5;
	[smem:$0x3FBA] =	sst s0  }
0x18: {  	s0 =	sld [smem:$0x3F9D];
	_ =	swait.ge [sflag:s4], $0x0  }
0x19: {  	s7 =	sld [smem:$0x3F9E]  }
0x1a: {  	s8 =	sadd.s32 $0xFFFFE003, lr  }
0x1b: {  	s9 =	sadd.s32 $0xFFFFFEF7, lr;
	s5 =	simm.s32 $0xFFFFFFFF;
	p2 =	slt.u32 s8, $0xFFFFF086  }
0x1c: {  	p1 =	slt.u32 s9, $0xF7A;
	s5 =	simm.s32 @!p2 $0x0  }
0x1d: {  	s5 =	simm.s32 @p1 $0x1;
	p0 =	seq.s32 s7, s2  }
0x1e: {  	s7 =	smul.u32 @!p0 $0xF7A, s2;
	p2 =	seq.s32 @!p0 s5, $0x0  }
0x1f: {  	s9 =	smul.u32 $0xF7A, s1;
	s8 =	simm.s32 @!p0 $0x1BF5;
	p2 =	por !p2, p0  }
0x20: {  	[sflag:s8] =	ssyncset.s32 @!p0 $0xFFFFF086;
	s6 =	sadd.s32 @!p0 s3, s7;
	s7 =	simm.s32 @!p0 $0x108  }
0x21: {  	s3 =	sadd.s32 s3, s9;
	s6 =	sadd.s32 @!p0 $0x88, s6;
	s7 =	simm.s32 @p2 $0x1082  }
0x22: {  	[simem:s7], [sflag:s8] =	dma.local @!p0 [hbm:s6], $0xF7A  }
0x23: {  	s9 =	sor.u32 $0xD0000000, s2;
	s6 =	simm.s32 $0x108;
	_ =	swait.ge @!p0 [sflag:s8], $0x0  }
0x24: {  	s3 =	sadd.s32 $0x88, s3;
	s6 =	simm.s32 @!p1 $0x1082;
	[sflag:s4] =	ssyncset.s32 $0xFFFFF086  }
0x25: {  	[simem:s6], [sflag:s4] =	dma.local [hbm:s3], $0xF7A  }
0x26: {  	[smem:$0x3F9E] =	sst s1;
	(tag) =	ssettag s2;
	_ =	strace s9  }
0x27: {  	s1 =	sld [smem:$0x3FAE]  }
0x28: {  	s2 =	sld [smem:$0x3FAF]  }
0x29: {  	s4 =	sld [smem:$0x3FB1]  }
0x2a: {  	p0 =	seq.s32 s5, $0x0;
	s5 =	sld [smem:$0x3FB2]  }
0x2b: {  	s6 =	sld [smem:$0x3FB3]  }
0x2c: {  	s7 =	sld [smem:$0x3FB4]  }
0x2d: {  	s3 =	simm.s32 $0x108;
	s8 =	sld [smem:$0x3FB5]  }
0x2e: {  	s3 =	simm.s32 @!p0 $0x1082;
	s9 =	sld [smem:$0x3FB6]  }
0x2f: {  	lr =	sadd.s32 s0, s3;
	s0 =	sld [smem:$0x3FAD]  }
0x30: {  	s3 =	sld [smem:$0x3FB0]  }
0x31: {  	[smem:$0x3FB9] =	sst s10  }
0x32: {  	s10 =	sld [smem:$0x3FB7];
	_ =	sdelay $0x3  }
0x33: {  	p0 =	seq.s32 s10, $0x1;
	s10 =	sld [smem:$0x3FB9];
	_ =	sdelay $0x3  }
0x34: {  	[smem:$0x3FB9] =	sst s10  }
0x35: {  	s10 =	sld [smem:$0x3FB8];
	_ =	sdelay $0x3  }
0x36: {  	p1 =	seq.s32 s10, $0x1;
	s10 =	sld [smem:$0x3FB9];
	_ =	sdelay $0x3  }
0x37: {  	[smem:$0x3FB9] =	sst s10  }
0x38: {  	s10 =	sld [smem:$0x3FBA]  }
0x39: {  	_ = 	snop;
	(pc) =	sbr.ind lr, $3  }
0x3a: {  	_ = 	snop  }
0x3b: {  	_ = 	snop  }
0x3c: {  	p2 =	seq.s32 s10, $0x1;
	s10 =	sld [smem:$0x3FB9]  }
0x3d: {  	_ =	shalt  }
0x3e: {  	_ =	shalt  }
0x3f: {  	_ =	shalt  }
0x40: {  	_ =	shalt  }
0x41: {  	_ =	shalt  }
0x42: {  	_ =	shalt  }
0x43: {  	_ =	shalt  }
0x44: {  	_ =	shalt  }
0x45: {  	_ =	shalt  }
0x46: {  	_ =	shalt  }
0x47: {  	_ =	shalt  }
0x48: {  	_ =	shalt  }
0x49: {  	_ =	shalt  }
0x4a: {  	_ =	shalt  }
0x4b: {  	_ =	shalt  }
0x4c: {  	_ =	shalt  }
0x4d: {  	_ =	shalt  }
0x4e: {  	_ =	shalt  }
0x4f: {  	_ =	shalt  }
0x50: {  	_ =	shalt  }
0x51: {  	_ =	shalt  }
0x52: {  	_ =	shalt  }
0x53: {  	_ =	shalt  }
0x54: {  	_ =	shalt  }
0x55: {  	_ =	shalt  }
0x56: {  	_ =	shalt  }
0x57: {  	_ =	shalt  }
0x58: {  	_ =	shalt  }
0x59: {  	_ =	shalt  }
0x5a: {  	_ =	shalt  }
0x5b: {  	_ =	shalt  }
0x5c: {  	_ =	shalt  }
0x5d: {  	_ =	shalt  }
0x5e: {  	_ =	shalt  }
0x5f: {  	_ =	shalt  }
0x60: {  	_ =	shalt  }
0x61: {  	_ =	shalt  }
0x62: {  	_ =	shalt  }
0x63: {  	_ =	shalt  }
0x64: {  	_ =	shalt  }
0x65: {  	_ =	shalt  }
0x66: {  	_ =	shalt  }
0x67: {  	_ =	shalt  }
0x68: {  	_ =	shalt  }
0x69: {  	_ =	shalt  }
0x6a: {  	_ =	shalt  }
0x6b: {  	_ =	shalt  }
0x6c: {  	_ =	shalt  }
0x6d: {  	_ =	shalt  }
0x6e: {  	_ =	shalt  }
0x6f: {  	_ =	shalt  }
0x70: {  	_ =	shalt  }
0x71: {  	_ =	shalt  }
0x72: {  	_ =	shalt  }
0x73: {  	_ =	shalt  }
0x74: {  	_ =	shalt  }
0x75: {  	_ =	shalt  }
0x76: {  	_ =	shalt  }
0x77: {  	_ =	shalt  }
0x78: {  	_ =	shalt  }
0x79: {  	_ =	shalt  }
0x7a: {  	_ =	shalt  }
0x7b: {  	_ =	shalt  }
0x7c: {  	_ =	shalt  }
0x7d: {  	_ =	shalt  }
0x7e: {  	_ =	shalt  }
0x7f: {  	_ =	shalt  }
0x80: {  	_ =	shalt  }
0x81: {  	_ =	shalt  }
0x82: {  	_ =	shalt  }
0x83: {  	_ =	shalt  }
0x84: {  	_ =	shalt  }
0x85: {  	_ =	shalt  }
0x86: {  	_ =	shalt  }
0x87: {  	_ =	shalt  }
.Lfunc_end0:
.L_simem_size_0:
called_computation_lowered:
.L_overlay_start_0:
0x88: {  	s2 =	sld [smem:$0x3FD9]  }
0x89: {  	s3 =	sld [smem:$0x3FFE];
	_ =	sdelay $0x1  }
0x8a: {  	s1 =	srdreg.scid  }
0x8b: {  	s0 =	sand.u32 $0x1, s1  }
0x8c: {  	s14 =	sshll.u32 s0, $0xA;
	s2 =	sadd.s32 s3, s2  }
0x8d: {  	s2 =	sadd.s32 s2, s14  }
0x8e: {  	[smem:$0x3FC5] =	sst s2  }
0x8f: {  	_ = 	snop  }
0x90: {  	s2 =	sld [smem:$0x3FD0];
	_ =	sdelay $0x2  }
0x91: {  	s15 =	simm.s32 $0xA;
	s4 =	simm.s32 $0x10  }
0x92: {  	[smem:s4], [sflag:s15] =	dma.local [hbm:s2], $0x1  }
0x93: {  	_ =	swait.eq [sflag:s15], $0x1  }
0x94: {  	[sflag:s15] =	ssyncset.done $0x0  }
0x95: {  	[sflag:s15] =	ssyncadd.s32 $0xFFFFFFFF  }
0x96: {  	s16 =	sld [smem:$0x13];
	(tm) =	ssettm $0x1  }
0x97: {  	s17 =	sld [smem:$0x3FFB];
	_ =	sdelay $0x3  }
0x98: {  	_ =	strace s17  }
0x99: {  	s3 =	sld [smem:$0x3FFC];
	_ =	sdelay $0x3  }
0x9a: {  	_ =	strace s3  }
0x9b: {  	s3 =	sld [smem:$0x3FFD];
	_ =	sdelay $0x3  }
0x9c: {  	_ =	strace s3  }
0x9d: {  	_ =	strace $0x8FFFFFFF  }
0x9e: {  	s18 =	sld [smem:$0x3FDB];
	_ =	sdelay $0x1  }
0x9f: {  	s19 =	simm.s32 $_scs_section_size  }
0xa0: {  	s5 =	simm.s32 $_size__tile_overlayer_lowered;
	s6 =	simm.s32 $_tile_overlayer_lowered  }
0xa1: {  	s22 =	simm.s32 $0x1BFF;
	s21 =	sshll.u32 s6, $0x1;
	s3 =	sadd.s32 s19, s18  }
0xa2: {  	s7 =	simm.s32 $0x0;
	s20 =	sshll.u32 s5, $0x1;
	s5 =	sadd.s32 s21, s3  }
0xa3: {  	[timem:s7], [sflag:s22] =	dma.local [hbm:s5], s20  }
0xa4: {  	_ =	swait.ge [sflag:s22], s20  }
0xa5: {  	s4 =	ssub.s32 $0x0, s20;
	[sflag:s22] =	ssyncset.done $0x0  }
0xa6: {  	[sflag:s22] =	ssyncadd.s32 s4;
	_ =	sdelay $0x1  }
0xa7: {  	s23 =	simm.s32 $0x1B8B  }
0xa8: {  	_ =	swait.ge [sflag:s23], $0x1  }
0xa9: {  	[sflag:s23] =	ssyncset.done $0x0  }
0xaa: {  	s25 =	simm.s32 $0x1B8E;
	s24 =	sld [smem:$0x3FFE];
	[sflag:s23] =	ssyncadd.s32 $0xFFFFFFFF  }
0xab: {  	s26 =	simm.s32 $execute0_lowered;
	[smem:$0x3FD2] =	sst s25  }
0xac: {  	s5 =	sshll.u32 s26, $0x1;
	_ =	strace $0x80000046;
	[dreg:$0x1] =	wrdreg $0xFFFFFFFF  }
0xad: {  	s28 =	simm.s32 $_size_execute0_lowered;
	s3 =	sadd.s32 s3, s5;
	[dreg:$0x0] =	wrdreg $0x0  }
0xae: {  	s5 =	sshll.u32 s28, $0x1;
	[dreg:$0x2] =	wrdreg s3  }
0xaf: {  	[dreg:$0x3] =	wrdreg s5  }
0xb0: {  	[dreg:$0x4] =	wrdreg $0xC0  }
0xb1: {  	_ =	task [dreg:s7], $0x5FFFF  }
0xb2: {  	[dreg:$0x1] =	wrdreg $0xFFFFFFFF  }
0xb3: {  	[dreg:$0x0] =	wrdreg $0x60  }
0xb4: {  	[dreg:$0x2] =	wrdreg s16  }
0xb5: {  	[dreg:$0x3] =	wrdreg s24  }
0xb6: {  	[dreg:$0x4] =	wrdreg $0x9  }
0xb7: {  	_ =	task.clear_ibuf [dreg:s7], $0x5FFFF;
	_ =	strace $0x90000046  }
0xb8: {  	s29 =	simm.s32 $0x9;
	_ =	strace $0x80000048  }
0xb9: {  	_ =	swait.ge [sflag:s29], $0x1  }
0xba: {  	[sflag:s29] =	ssyncadd.s32 $0xFFFFFFFF  }
0xbb: {  	_ =	strace $0x90000048  }
0xbc: {  	_ =	sfence  }
0xbd: {  	s30 =	sld [smem:$0x0];
	_ =	sdelay $0x2  }
0xbe: {  	s31 =	sshll.u32 s1, $0xD;
	s1 =	sshrl.u32 s1, $0x2  }
0xbf: {  	s3 =	sand.u32 $0x4000, s31;
	s1 =	sadd.s32 s1, s30  }
0xc0: {  	s0 =	sor.u32 s3, s0;
	s1 =	sshll.u32 s1, $0x11  }
0xc1: {  	s0 =	sor.u32 s1, s0  }
0xc2: {  	s0 =	sadd.s32 $0x8F2B, s0  }
0xc3: {  	[sflag:s0] =	ssyncadd.remote.s32 $0x1  }
0xc4: {  	_ =	sfence.sel $0xFFFF  }
0xc5: {  	[dreg:$0x0] =	wrdreg $0xFFFFFFFF;
	(pc) =	sbr.abs _section_cstart, $3  }
0xc6: {  	[dreg:$0x1] =	wrdreg $0xFFFFFFFF  }
0xc7: {  	_ =	task.clear_ibuf [dreg:s7], $0x2FFFF;
	_ =	strace $0x9FFFFFFF  }
0xc8: {  	(tm) =	ssettm $0x7FFFFFFF  }
0xc9: {  	_ =	shalt  }
tec
execute0_lowered:
.L_overlay_start_1:
0x0: {  	(tag) =	ssettag $0x1  }
0x1: {  	s3 =	rddreg [dreg:$0x0]  }
0x2: {  	s4 =	rddreg [dreg:$0x1]  }
0x3: {  	s0 =	rddreg [dreg:$0x2];
	s5 =	srdreg.scid  }
0x4: {  	s2 =	simm.s32 $0x0;
	s1 =	stileid.u32;
	s6 =	sand.u32 $0x1, s5  }
0x5: {  	s11 =	simm.s32 $0x100;
	s12 =	simm.s32 $0x5200;
	s8 =	ssub.s32 $0x2, s6  }
0x6: {  	s13 =	simm.s32 $0x180;
	s14 =	simm.s32 $0x7A00;
	s9 =	sshrl.u32 s8, $0x1  }
0x7: {  	p0 =	por $0x0, $0x0;
	[smem:$0x7FF] =	sst s2;
	s31 =	ssub.s32 s8, s9  }
0x8: {  	s7 =	sshll.u32 s1, $0x1;
	s5 =	sadd.s32 $0x1200, s4;
	s16 =	smax.u32 s31, $0x1  }
0x9: {  	s10 =	sshll.u32 s1, $0x7;
	_ =	strace $0x80000047;
	p1 =	sne.s32 s16, $0x1  }
.Ltmp0:
0xa: {  	s7 =	sor.u32 s6, s7;
	s6 =	sshll.u32 s6, $0x6;
	(pc) =	sbr.rel @!p1 .LBB2_3-.Ltmp0, $4  }
0xb: {  	s7 =	smul.u32 $0x1400, s7;
	s3 =	sadd.s32 s3, s6;
	s6 =	simm.s32 $0x200  }
0xc: {  	s15 =	sadd.s32 s10, s3;
	s3 =	simm.s32 $0x2;
	s8 =	simm.s32 $0x50  }
0xd: {  	s9 =	simm.s32 $0x80;
	s10 =	simm.s32 $0x2A00;
	s4 =	sadd.s32 s7, s4  }
0xe: {  	s7 =	simm.s32 $0x1;
	s4 =	sadd.s32 $0x61200, s4;
	s16 =	sadd.s32 $0xFFFFFFFF, s16  }
0xf: {  	[tilespmem:s2], [sflag:$0x2] =	stream.linear.gather [hbm4b:s15+s2], $0x200, $0x38;
	[tilespmem:$0xA200] =	vst v63  }
0x10: {  	_ =	swait.ge [sflag:s3], $0x200  }
0x11: {  	[sflag:s3] =	ssyncset.done $0x0  }
0x12: {  	[sflag:s3] =	ssyncadd.s32 $0xFFFFFE00  }
0x13: {  	v0 =	vld [tilespmem:$0x110]  }
0x14: {  	v1 =	vld [tilespmem:$0x1C0]  }
0x15: {  	v2 =	vld [tilespmem:$0x120]  }
0x16: {  	v3 =	vld [tilespmem:$0x30]  }
0x17: {  	v4 =	vld [tilespmem:$0x80]  }
0x18: {  	v5 =	vld [tilespmem:$0x40]  }
0x19: {  	v6 =	vld [tilespmem:$0xC0]  }
0x1a: {  	v7 =	vld [tilespmem:$0x100];
	vm0 =	vgt.s32 v0, $0x0;
	vm10 =	vgt.s32 v1, $0x0  }
0x1b: {  	v46 =	vld [tilespmem:$0x1A0];
	vm1 =	vgt.s32 v2, $0x0;
	vm11 =	vgt.s32 v3, $0x0;
	v0 =	vnsel vm0, $0x0, v0  }
0x1c: {  	vm12 =	vgt.s32 v4, $0x0;
	v1 =	vnsel vm10, $0x0, v1;
	v0 =	vmin.u32 v0, $0x5FFF  }
0x1d: {  	v47 =	vld [tilespmem:$0xB0];
	vm13 =	vgt.s32 v5, $0x0;
	v2 =	vnsel vm1, $0x0, v2;
	v1 =	vmin.u32 v1, $0x5FFF;
	[tilespmem:$0x110] =	vst v0  }
0x1e: {  	v50 =	vld [tilespmem:$0x190];
	vm14 =	vgt.s32 v6, $0x0;
	v3 =	vnsel vm11, $0x0, v3;
	v2 =	vmin.u32 v2, $0x5FFF;
	[tilespmem:$0x1C0] =	vst v1  }
0x1f: {  	v54 =	vld [tilespmem:$0xA0];
	vm15 =	vgt.s32 v7, $0x0;
	v4 =	vnsel vm12, $0x0, v4;
	v3 =	vmin.u32 v3, $0x5FFF;
	[tilespmem:$0x120] =	vst v2  }
0x20: {  	vm9 =	vgt.s32 v46, $0x0;
	v43 =	vnsel vm14, $0x0, v6;
	v4 =	vmin.u32 v4, $0x5FFF;
	[tilespmem:$0x30] =	vst v3  }
0x21: {  	v39 =	vld [tilespmem:$0x1B0];
	v41 =	vnsel vm13, $0x0, v5;
	v55 =	vnsel vm9, $0x0, v46;
	v5 =	vmin.u32 v43, $0x5FFF;
	[tilespmem:$0x80] =	vst v4  }
0x22: {  	v40 =	vld [tilespmem:$0x90];
	v45 =	vnsel vm15, $0x0, v7;
	vm10 =	vgt.s32 v47, $0x0;
	v57 =	vmin.u32 v55, $0x5FFF;
	[tilespmem:$0xC0] =	vst v5  }
0x23: {  	v42 =	vld [tilespmem:$0x140];
	vm12 =	vgt.s32 v50, $0x0;
	v56 =	vnsel vm10, $0x0, v47;
	v2 =	vmin.u32 v41, $0x5FFF;
	[tilespmem:$0x1A0] =	vst v57  }
0x24: {  	v48 =	vld [tilespmem:$0x10];
	vm15 =	vgt.s32 v54, $0x0;
	v60 =	vnsel vm12, $0x0, v50;
	v58 =	vmin.u32 v56, $0x5FFF;
	[tilespmem:$0x40] =	vst v2  }
0x25: {  	v8 =	vld [tilespmem:$0x180];
	v62 =	vnsel vm15, $0x0, v54;
	v61 =	vmin.u32 v60, $0x5FFF;
	[tilespmem:$0xB0] =	vst v58  }
0x26: {  	v44 =	vld [tilespmem:$0x130];
	vm4 =	vgt.s32 v39, $0x0;
	v63 =	vmin.u32 v62, $0x5FFF;
	[tilespmem:$0x190] =	vst v61  }
0x27: {  	v51 =	vld [tilespmem:$0x0];
	vm6 =	vgt.s32 v40, $0x0;
	v0 =	vnsel vm4, $0x0, v39;
	v2 =	vmin.u32 v45, $0x5FFF;
	[tilespmem:$0xA0] =	vst v63  }
0x28: {  	v52 =	vld [tilespmem:$0x20];
	vm7 =	vgt.s32 v42, $0x0;
	v1 =	vnsel vm6, $0x0, v40;
	v0 =	vmin.u32 v0, $0x5FFF;
	[tilespmem:$0x100] =	vst v2  }
0x29: {  	vm11 =	vgt.s32 v48, $0x0;
	v3 =	vnsel vm7, $0x0, v42;
	v1 =	vmin.u32 v1, $0x5FFF;
	[tilespmem:$0x1B0] =	vst v0  }
0x2a: {  	vm5 =	vgt.s32 v8, $0x0;
	v5 =	vnsel vm11, $0x0, v48;
	v3 =	vmin.u32 v3, $0x5FFF;
	[tilespmem:$0x90] =	vst v1  }
0x2b: {  	vm8 =	vgt.s32 v44, $0x0;
	v49 =	vnsel vm5, $0x0, v8;
	v59 =	vmin.u32 v5, $0x5FFF;
	[tilespmem:$0x140] =	vst v3  }
0x2c: {  	v53 =	vnsel vm8, $0x0, v44;
	vm13 =	vgt.s32 v51, $0x0;
	v2 =	vmin.u32 v49, $0x5FFF;
	[tilespmem:$0x10] =	vst v59  }
0x2d: {  	vm14 =	vgt.s32 v52, $0x0;
	v1 =	vmin.u32 v53, $0x5FFF;
	v0 =	vnsel vm13, $0x0, v51;
	[tilespmem:$0x180] =	vst v2  }
0x2e: {  	[tilespmem:$0x130] =	vst v1;
	v0 =	vmin.u32 v0, $0x5FFF;
	v2 =	vnsel vm14, $0x0, v52  }
0x2f: {  	v2 =	vmin.u32 v2, $0x5FFF;
	[tilespmem:$0x0] =	vst v0  }
0x30: {  	[tilespmem:$0x20] =	vst v2  }
0x31: {  	[tilespmem:s6], [sflag:$0x1] =	stream.indirect.gather [hbm4b:s5+s8], $0x80, s2, s8, $0xb8;
	[tilespmem:$0xA200] =	vst v63  }
0x32: {  	_ = 	snop  }
0x33: {  	[tilespmem:s10], [sflag:$0x1] =	stream.indirect.gather [hbm4b:s5+s8], $0x80, s9, s8, $0xb8;
	[tilespmem:$0xA200] =	vst v63  }
0x34: {  	_ = 	snop  }
0x35: {  	[tilespmem:s12], [sflag:$0x1] =	stream.indirect.gather [hbm4b:s5+s8], $0x80, s11, s8, $0xb8;
	[tilespmem:$0xA200] =	vst v63  }
0x36: {  	p1 =	sne.s32 s16, $0x1  }
0x37: {  	[tilespmem:s14], [sflag:$0x1] =	stream.indirect.gather [hbm4b:s5+s8], $0x80, s13, s8, $0xb8;
	[tilespmem:$0xA200] =	vst v63  }
.Ltmp1:
0x38: {  	_ = 	snop;
	(pc) =	sbr.rel @!p1 .LBB2_3-.Ltmp1, $4  }
0x39: {  	_ =	swait.ge [sflag:s7], $0x2800  }
0x3a: {  	[sflag:s7] =	ssyncset.done $0x0  }
0x3b: {  	[sflag:s7] =	ssyncadd.s32 $0xFFFFD800  }
0x3c: {  	s16 =	sadd.s32 $0xFFFFFFFF, s16;
	p0 =	por $0x1, $0x1;
	_ =	swait.ge [sflag:s7], $0x2800  }
.LBB2_2:
0x3d: {  	p1 =	sne.s32 s16, $0x1;
	s16 =	sadd.s32 $0xFFFFFFFF, s16;
	[sflag:s7] =	ssyncset.done $0x0  }
0x3e: {  	[sflag:s7] =	ssyncadd.s32 $0xFFFFD800  }
0x3f: {  	_ =	swait.ge [sflag:s7], $0x2800  }
0x40: {  	[sflag:s7] =	ssyncset.done $0x0  }
0x41: {  	[sflag:s7] =	ssyncadd.s32 $0xFFFFD800  }
0x42: {  	_ =	swait.ge [sflag:s7], $0x2800  }
0x43: {  	[sflag:s7] =	ssyncset.done $0x0  }
0x44: {  	[sflag:s7] =	ssyncadd.s32 $0xFFFFD800  }
0x45: {  	[hbm4b:s4+s2] =	stream.linear.scatter [tilespmem:s6], [sflag:$0x2], $0xA000, $0x38;
	[tilespmem:$0xA200] =	vst v63  }
0x46: {  	_ =	swait.ge [sflag:s3], $0xA000  }
0x47: {  	[sflag:s3] =	ssyncset.done $0x0  }
0x48: {  	[sflag:s3] =	ssyncadd.s32 $0xFFFF6000  }
0x49: {  	[tilespmem:s2], [sflag:$0x2] =	stream.linear.gather [hbm4b:s15+s2], $0x200, $0x38;
	[tilespmem:$0xA200] =	vst v63  }
0x4a: {  	_ =	swait.ge [sflag:s3], $0x200  }
0x4b: {  	[sflag:s3] =	ssyncset.done $0x0  }
0x4c: {  	[sflag:s3] =	ssyncadd.s32 $0xFFFFFE00  }
0x4d: {  	v0 =	vld [tilespmem:$0x110]  }
0x4e: {  	v1 =	vld [tilespmem:$0x30]  }
0x4f: {  	v2 =	vld [tilespmem:$0x1C0]  }
0x50: {  	v3 =	vld [tilespmem:$0x120]  }
0x51: {  	v4 =	vld [tilespmem:$0x80]  }
0x52: {  	v5 =	vld [tilespmem:$0x40];
	vm0 =	vgt.s32 v0, $0x0  }
0x53: {  	vm1 =	vgt.s32 v1, $0x0;
	v6 =	vld [tilespmem:$0x90];
	v0 =	vnsel vm0, $0x0, v0  }
0x54: {  	v1 =	vnsel vm1, $0x0, v1;
	v7 =	vld [tilespmem:$0xC0];
	v0 =	vmin.u32 v0, $0x5FFF;
	vm0 =	vgt.s32 v2, $0x0  }
0x55: {  	v1 =	vmin.u32 v1, $0x5FFF;
	[tilespmem:$0x110] =	vst v0;
	vm1 =	vgt.s32 v3, $0x0;
	v0 =	vld [tilespmem:$0x1B0];
	v2 =	vnsel vm0, $0x0, v2  }
0x56: {  	vm0 =	vgt.s32 v4, $0x0;
	v8 =	vld [tilespmem:$0x100];
	v3 =	vnsel vm1, $0x0, v3;
	v2 =	vmin.u32 v2, $0x5FFF  }
0x57: {  	v9 =	vld [tilespmem:$0x0];
	vm1 =	vgt.s32 v5, $0x0;
	v4 =	vnsel vm0, $0x0, v4;
	v3 =	vmin.u32 v3, $0x5FFF  }
0x58: {  	v5 =	vnsel vm1, $0x0, v5;
	v4 =	vmin.u32 v4, $0x5FFF;
	vm0 =	vgt.s32 v6, $0x0;
	v10 =	vld [tilespmem:$0x180];
	[tilespmem:$0x1C0] =	vst v2  }
0x59: {  	v2 =	vmin.u32 v5, $0x5FFF;
	v5 =	vnsel vm0, $0x0, v6;
	v6 =	vld [tilespmem:$0xB0];
	vm0 =	vgt.s32 v7, $0x0;
	[tilespmem:$0x120] =	vst v3  }
0x5a: {  	[tilespmem:$0x30] =	vst v1;
	v1 =	vmin.u32 v5, $0x5FFF;
	v3 =	vnsel vm0, $0x0, v7;
	v5 =	vld [tilespmem:$0x140];
	vm0 =	vgt.s32 v0, $0x0  }
0x5b: {  	[tilespmem:$0x80] =	vst v4;
	v3 =	vmin.u32 v3, $0x5FFF;
	vm1 =	vgt.s32 v8, $0x0;
	v4 =	vld [tilespmem:$0x130];
	v0 =	vnsel vm0, $0x0, v0  }
0x5c: {  	vm0 =	vgt.s32 v9, $0x0;
	[tilespmem:$0x40] =	vst v2;
	v2 =	vnsel vm1, $0x0, v8;
	v7 =	vld [tilespmem:$0x1A0];
	v0 =	vmin.u32 v0, $0x5FFF  }
0x5d: {  	v8 =	vnsel vm0, $0x0, v9;
	v9 =	vld [tilespmem:$0x10];
	[tilespmem:$0xC0] =	vst v3;
	v2 =	vmin.u32 v2, $0x5FFF;
	vm0 =	vgt.s32 v10, $0x0  }
0x5e: {  	v3 =	vmin.u32 v8, $0x5FFF;
	v8 =	vld [tilespmem:$0xA0];
	vm1 =	vgt.s32 v6, $0x0;
	[tilespmem:$0x100] =	vst v2;
	v2 =	vnsel vm0, $0x0, v10  }
0x5f: {  	v6 =	vnsel vm1, $0x0, v6;
	vm0 =	vgt.s32 v5, $0x0;
	v2 =	vmin.u32 v2, $0x5FFF;
	v10 =	vld [tilespmem:$0x190];
	[tilespmem:$0x1B0] =	vst v0  }
0x60: {  	v0 =	vld [tilespmem:$0x20];
	v6 =	vmin.u32 v6, $0x5FFF;
	vm1 =	vgt.s32 v4, $0x0;
	v5 =	vnsel vm0, $0x0, v5;
	[tilespmem:$0x180] =	vst v2  }
0x61: {  	[tilespmem:$0x90] =	vst v1;
	v1 =	vnsel vm1, $0x0, v4;
	v2 =	vmin.u32 v5, $0x5FFF;
	vm0 =	vgt.s32 v7, $0x0  }
0x62: {  	vm1 =	vgt.s32 v9, $0x0;
	v1 =	vmin.u32 v1, $0x5FFF;
	[tilespmem:$0x140] =	vst v2;
	v2 =	vnsel vm0, $0x0, v7  }
0x63: {  	v4 =	vnsel vm1, $0x0, v9;
	vm0 =	vgt.s32 v8, $0x0;
	[tilespmem:$0x130] =	vst v1;
	v1 =	vmin.u32 v2, $0x5FFF  }
0x64: {  	v2 =	vmin.u32 v4, $0x5FFF;
	v4 =	vnsel vm0, $0x0, v8;
	vm0 =	vgt.s32 v10, $0x0;
	[tilespmem:$0x1A0] =	vst v1  }
0x65: {  	vm1 =	vgt.s32 v0, $0x0;
	v1 =	vmin.u32 v4, $0x5FFF;
	[tilespmem:$0xB0] =	vst v6;
	v4 =	vnsel vm0, $0x0, v10  }
0x66: {  	[tilespmem:$0x10] =	vst v2;
	v0 =	vnsel vm1, $0x0, v0;
	v2 =	vmin.u32 v4, $0x5FFF  }
0x67: {  	v0 =	vmin.u32 v0, $0x5FFF;
	[tilespmem:$0x190] =	vst v2  }
0x68: {  	[tilespmem:$0x0] =	vst v3  }
0x69: {  	[tilespmem:$0x20] =	vst v0  }
0x6a: {  	[tilespmem:$0xA0] =	vst v1  }
0x6b: {  	[tilespmem:s6], [sflag:$0x1] =	stream.indirect.gather [hbm4b:s5+s8], $0x80, s2, s8, $0xb8;
	[tilespmem:$0xA200] =	vst v63  }
0x6c: {  	_ = 	snop  }
0x6d: {  	[tilespmem:s10], [sflag:$0x1] =	stream.indirect.gather [hbm4b:s5+s8], $0x80, s9, s8, $0xb8;
	[tilespmem:$0xA200] =	vst v63  }
0x6e: {  	_ = 	snop  }
0x6f: {  	[tilespmem:s12], [sflag:$0x1] =	stream.indirect.gather [hbm4b:s5+s8], $0x80, s11, s8, $0xb8;
	[tilespmem:$0xA200] =	vst v63  }
0x70: {  	_ = 	snop  }
0x71: {  	[tilespmem:s14], [sflag:$0x1] =	stream.indirect.gather [hbm4b:s5+s8], $0x80, s13, s8, $0xb8;
	[tilespmem:$0xA200] =	vst v63  }
.Ltmp2:
0x72: {  	_ = 	snop;
	(pc) =	sbr.rel @p1 .LBB2_2-.Ltmp2, $4  }
0x73: {  	_ =	swait.ge [sflag:s7], $0x2800  }
0x74: {  	[sflag:s7] =	ssyncset.done $0x0  }
0x75: {  	[sflag:s7] =	ssyncadd.s32 $0xFFFFD800  }
0x76: {  	_ =	swait.ge [sflag:s7], $0x2800  }
.LBB2_3:
0x77: {  	[sflag:s7] =	ssyncset.done @p0 $0x0  }
0x78: {  	[sflag:s7] =	ssyncadd.s32 @p0 $0xFFFFD800  }
0x79: {  	_ =	swait.ge @p0 [sflag:s7], $0x2800  }
0x7a: {  	[sflag:s7] =	ssyncset.done @p0 $0x0  }
0x7b: {  	[sflag:s7] =	ssyncadd.s32 @p0 $0xFFFFD800  }
0x7c: {  	_ =	swait.ge @p0 [sflag:s7], $0x2800  }
0x7d: {  	[sflag:s7] =	ssyncset.done @p0 $0x0  }
0x7e: {  	[sflag:s7] =	ssyncadd.s32 @p0 $0xFFFFD800  }
0x7f: {  	[hbm4b:s4+s2] =	stream.linear.scatter @p0 [tilespmem:s6], [sflag:$0x2], $0xA000, $0x38;
	[tilespmem:$0xA200] =	vst v63  }
0x80: {  	_ =	swait.ge @p0 [sflag:s3], $0xA000  }
0x81: {  	[sflag:s3] =	ssyncset.done @p0 $0x0  }
0x82: {  	[sflag:s3] =	ssyncadd.s32 @p0 $0xFFFF6000  }
0x83: {  	[tilespmem:s2], [sflag:$0x2] =	stream.linear.gather [hbm4b:s15+s2], $0x200, $0x38;
	[tilespmem:$0xA200] =	vst v63  }
0x84: {  	_ =	swait.ge [sflag:s3], $0x200  }
0x85: {  	[sflag:s3] =	ssyncset.done $0x0  }
0x86: {  	[sflag:s3] =	ssyncadd.s32 $0xFFFFFE00  }
0x87: {  	v0 =	vld [tilespmem:$0x110]  }
0x88: {  	v1 =	vld [tilespmem:$0x1C0]  }
0x89: {  	v2 =	vld [tilespmem:$0x120]  }
0x8a: {  	v3 =	vld [tilespmem:$0x30]  }
0x8b: {  	v4 =	vld [tilespmem:$0x80]  }
0x8c: {  	v5 =	vld [tilespmem:$0x40]  }
0x8d: {  	v6 =	vld [tilespmem:$0xC0]  }
0x8e: {  	v7 =	vld [tilespmem:$0x100];
	vm0 =	vgt.s32 v0, $0x0;
	vm10 =	vgt.s32 v1, $0x0  }
0x8f: {  	v46 =	vld [tilespmem:$0x1A0];
	vm1 =	vgt.s32 v2, $0x0;
	vm11 =	vgt.s32 v3, $0x0;
	v0 =	vnsel vm0, $0x0, v0  }
0x90: {  	vm12 =	vgt.s32 v4, $0x0;
	v1 =	vnsel vm10, $0x0, v1;
	v0 =	vmin.u32 v0, $0x5FFF  }
0x91: {  	v47 =	vld [tilespmem:$0xB0];
	vm13 =	vgt.s32 v5, $0x0;
	v2 =	vnsel vm1, $0x0, v2;
	v1 =	vmin.u32 v1, $0x5FFF;
	[tilespmem:$0x110] =	vst v0  }
0x92: {  	v50 =	vld [tilespmem:$0x190];
	vm14 =	vgt.s32 v6, $0x0;
	v3 =	vnsel vm11, $0x0, v3;
	v2 =	vmin.u32 v2, $0x5FFF;
	[tilespmem:$0x1C0] =	vst v1  }
0x93: {  	v54 =	vld [tilespmem:$0xA0];
	vm15 =	vgt.s32 v7, $0x0;
	v4 =	vnsel vm12, $0x0, v4;
	v3 =	vmin.u32 v3, $0x5FFF;
	[tilespmem:$0x120] =	vst v2  }
0x94: {  	vm9 =	vgt.s32 v46, $0x0;
	v43 =	vnsel vm14, $0x0, v6;
	v4 =	vmin.u32 v4, $0x5FFF;
	[tilespmem:$0x30] =	vst v3  }
0x95: {  	v39 =	vld [tilespmem:$0x1B0];
	v41 =	vnsel vm13, $0x0, v5;
	v55 =	vnsel vm9, $0x0, v46;
	v5 =	vmin.u32 v43, $0x5FFF;
	[tilespmem:$0x80] =	vst v4  }
0x96: {  	v40 =	vld [tilespmem:$0x90];
	v45 =	vnsel vm15, $0x0, v7;
	vm10 =	vgt.s32 v47, $0x0;
	v57 =	vmin.u32 v55, $0x5FFF;
	[tilespmem:$0xC0] =	vst v5  }
0x97: {  	v42 =	vld [tilespmem:$0x140];
	vm12 =	vgt.s32 v50, $0x0;
	v56 =	vnsel vm10, $0x0, v47;
	v2 =	vmin.u32 v41, $0x5FFF;
	[tilespmem:$0x1A0] =	vst v57  }
0x98: {  	v48 =	vld [tilespmem:$0x10];
	vm15 =	vgt.s32 v54, $0x0;
	v60 =	vnsel vm12, $0x0, v50;
	v58 =	vmin.u32 v56, $0x5FFF;
	[tilespmem:$0x40] =	vst v2  }
0x99: {  	v8 =	vld [tilespmem:$0x180];
	v62 =	vnsel vm15, $0x0, v54;
	v61 =	vmin.u32 v60, $0x5FFF;
	[tilespmem:$0xB0] =	vst v58  }
0x9a: {  	v44 =	vld [tilespmem:$0x130];
	vm4 =	vgt.s32 v39, $0x0;
	v63 =	vmin.u32 v62, $0x5FFF;
	[tilespmem:$0x190] =	vst v61  }
0x9b: {  	v51 =	vld [tilespmem:$0x0];
	vm6 =	vgt.s32 v40, $0x0;
	v0 =	vnsel vm4, $0x0, v39;
	v2 =	vmin.u32 v45, $0x5FFF;
	[tilespmem:$0xA0] =	vst v63  }
0x9c: {  	v52 =	vld [tilespmem:$0x20];
	vm7 =	vgt.s32 v42, $0x0;
	v1 =	vnsel vm6, $0x0, v40;
	v0 =	vmin.u32 v0, $0x5FFF;
	[tilespmem:$0x100] =	vst v2  }
0x9d: {  	vm11 =	vgt.s32 v48, $0x0;
	v3 =	vnsel vm7, $0x0, v42;
	v1 =	vmin.u32 v1, $0x5FFF;
	[tilespmem:$0x1B0] =	vst v0  }
0x9e: {  	vm5 =	vgt.s32 v8, $0x0;
	v5 =	vnsel vm11, $0x0, v48;
	v3 =	vmin.u32 v3, $0x5FFF;
	[tilespmem:$0x90] =	vst v1  }
0x9f: {  	vm8 =	vgt.s32 v44, $0x0;
	v49 =	vnsel vm5, $0x0, v8;
	v59 =	vmin.u32 v5, $0x5FFF;
	[tilespmem:$0x140] =	vst v3  }
0xa0: {  	v53 =	vnsel vm8, $0x0, v44;
	vm13 =	vgt.s32 v51, $0x0;
	v2 =	vmin.u32 v49, $0x5FFF;
	[tilespmem:$0x10] =	vst v59  }
0xa1: {  	vm14 =	vgt.s32 v52, $0x0;
	v1 =	vmin.u32 v53, $0x5FFF;
	v0 =	vnsel vm13, $0x0, v51;
	[tilespmem:$0x180] =	vst v2  }
0xa2: {  	[tilespmem:$0x130] =	vst v1;
	v0 =	vmin.u32 v0, $0x5FFF;
	v2 =	vnsel vm14, $0x0, v52  }
0xa3: {  	v2 =	vmin.u32 v2, $0x5FFF;
	[tilespmem:$0x0] =	vst v0  }
0xa4: {  	[tilespmem:$0x20] =	vst v2  }
0xa5: {  	[tilespmem:s6], [sflag:$0x1] =	stream.indirect.gather [hbm4b:s5+s8], $0x80, s2, s8, $0xb8;
	[tilespmem:$0xA200] =	vst v63  }
0xa6: {  	_ = 	snop  }
0xa7: {  	[tilespmem:s10], [sflag:$0x1] =	stream.indirect.gather [hbm4b:s5+s8], $0x80, s9, s8, $0xb8;
	[tilespmem:$0xA200] =	vst v63  }
0xa8: {  	_ = 	snop  }
0xa9: {  	[tilespmem:s12], [sflag:$0x1] =	stream.indirect.gather [hbm4b:s5+s8], $0x80, s11, s8, $0xb8;
	[tilespmem:$0xA200] =	vst v63  }
0xaa: {  	_ = 	snop  }
0xab: {  	[tilespmem:s14], [sflag:$0x1] =	stream.indirect.gather [hbm4b:s5+s8], $0x80, s13, s8, $0xb8;
	[tilespmem:$0xA200] =	vst v63  }
0xac: {  	_ =	swait.ge [sflag:s7], $0x2800  }
0xad: {  	[sflag:s7] =	ssyncset.done $0x0  }
0xae: {  	[sflag:s7] =	ssyncadd.s32 $0xFFFFD800  }
0xaf: {  	_ =	swait.ge [sflag:s7], $0x2800  }
0xb0: {  	[sflag:s7] =	ssyncset.done $0x0  }
0xb1: {  	[sflag:s7] =	ssyncadd.s32 $0xFFFFD800  }
0xb2: {  	_ =	swait.ge [sflag:s7], $0x2800  }
0xb3: {  	[sflag:s7] =	ssyncset.done $0x0  }
0xb4: {  	[sflag:s7] =	ssyncadd.s32 $0xFFFFD800  }
0xb5: {  	_ =	swait.ge [sflag:s7], $0x2800  }
0xb6: {  	[sflag:s7] =	ssyncset.done $0x0  }
0xb7: {  	[sflag:s7] =	ssyncadd.s32 $0xFFFFD800  }
0xb8: {  	[hbm4b:s4+s2] =	stream.linear.scatter [tilespmem:s6], [sflag:$0x2], $0xA000, $0x38;
	[tilespmem:$0xA200] =	vst v63  }
0xb9: {  	_ =	swait.ge [sflag:s3], $0xA000  }
0xba: {  	[sflag:s3] =	ssyncset.done $0x0  }
0xbb: {  	[sflag:s3] =	ssyncadd.s32 $0xFFFF6000  }
0xbc: {  	_ =	sfence.sel $0x180000  }
0xbd: {  	[bflag:$0x0] =	sbarrier.arrive $0xFFFF  }
0xbe: {  	p0 =	sne.s32 s1, $0x0;
	_ =	strace $0x90000047  }
0xbf: {  	s0 =	sadd.s32 @!p0 $0x100000, s0;
	[bflag:$0x2] =	sbarrier.arrive $0xFFFF  }
0xc0: {  	[sflag:s0] =	ssyncadd.tile.s32 @!p0 $0x1;
	_ =	shalt  }
.Lfunc_end2:
_tile_overlayer_lowered:
.L_overlay_start_2:
0xc1: {  	(tag) =	ssettag $0x2  }
0xc2: {  	s0 =	rddreg [dreg:$0x0];
	s2 =	stileid.u32  }
0xc3: {  	s1 =	rddreg [dreg:$0x1];
	p0 =	sne.s32 s2, $0x0  }
0xc4: {  	s3 =	rddreg [dreg:$0x2];
	[bflag:$0x3] =	sbarrier.arrive $0xFFFF;
	s2 =	simm.s32 @!p0 $0x1C02  }
0xc5: {  	[timem:s3], [sflag:s2] =	dma.local @!p0 [hbm:s0], s1  }
0xc6: {  	s0 =	simm.s32 @!p0 $0x2  }
0xc7: {  	_ =	swait.ge @!p0 [sflag:s0], s1  }
0xc8: {  	s1 =	ssub.s32 @!p0 $0x0, s1;
	[sflag:s0] =	ssyncset.done @!p0 $0x0  }
0xc9: {  	[sflag:s0] =	ssyncadd.s32 @!p0 s1  }
0xca: {  	[bflag:$0x3] =	sbarrier.arrive $0xFFFF  }
0xcb: {  	_ =	shalt  }

</sc_bundles>
